<compile_context>
chip_gen: v7x
topology: tpu7x:2x2x1
jax: 0.10.2.dev20260603
libtpu: 0.0.44.dev20260713+nightly
codegen_flags: <defaults>
</compile_context>

<pallas_src>
import jax
import jax.numpy as jnp
from jax import lax
from jax.experimental import pallas as pl
from jax.experimental.pallas import tpu as pltpu
from jax.experimental.pallas import tpu_sc as plsc

NUM_NODES = 100000
EMBED = 128
EMBED_U = 32
EDGE_TYPES = 4
DIM_A = 16
BATCH = 4096
NEIGH = 10

NC = 2
NS = 16
NW = NC * NS
G = BATCH * EDGE_TYPES
G_W = G // NW
CH = 64
NCH = G_W // CH
ROWS = CH * NEIGH
NSEG = ROWS // 128
BE_W = BATCH // NW
B_CH = CH // EDGE_TYPES

_BB = 1024
_f32 = jnp.float32

_MESH = dict(core_axis_name="c", subcore_axis_name="s",
             num_cores=NC, num_subcores=NS)


def _wid():
    return lax.axis_index("s") * NC + lax.axis_index("c")


def _sc_node_body(nembed_hbm, tin_hbm, ne_out, tidx_v, trows_v, sem):
    b0 = _wid() * BE_W
    pltpu.sync_copy(tin_hbm.at[pl.ds(b0, BE_W)], tidx_v)
    pltpu.async_copy(nembed_hbm.at[tidx_v], trows_v, sem).wait()
    pltpu.sync_copy(trows_v, ne_out.at[pl.ds(b0, BE_W)])


def _sc_node(node_embeddings, train_inputs):
    f = pl.kernel(
        _sc_node_body,
        out_type=jax.ShapeDtypeStruct((BATCH, EMBED), _f32),
        mesh=plsc.VectorSubcoreMesh(**_MESH),
        scratch_types=[
            pltpu.VMEM((BE_W,), jnp.int32),
            pltpu.VMEM((BE_W, EMBED), _f32),
            pltpu.SemaphoreType.DMA,
        ],
    )
    return f(node_embeddings, train_inputs)


def _sc_ntype_body(ntype_hbm, nidx_hbm, nte_out, nidx_v, rows_v, acc_v, sem):
    wid = _wid()
    nrows = G_W * NEIGH // 128
    pltpu.sync_copy(nidx_hbm.at[pl.ds(wid * nrows, nrows)], nidx_v)

    def chunk_body(c, carry):
        cps = []
        for s in range(NSEG):
            cps.append(pltpu.async_copy(ntype_hbm.at[nidx_v.at[c * NSEG + s]],
                                        rows_v.at[pl.ds(s * 128, 128)], sem))
        for cp in cps:
            cp.wait()

        def grp(b_loc, carry2):
            r0 = b_loc * EDGE_TYPES * NEIGH
            for t in range(EDGE_TYPES):
                rt = r0 + t * NEIGH
                for h in (0, 16):
                    a = rows_v[rt, pl.ds(h, 16)]
                    for n in range(1, NEIGH):
                        a = a + rows_v[rt + n, pl.ds(h, 16)]
                    acc_v[b_loc, pl.ds(t * EMBED_U + h, 16)] = a
            return carry2

        lax.fori_loop(0, B_CH, grp, 0)
        pltpu.sync_copy(acc_v,
                        nte_out.at[pl.ds(wid * (G_W // EDGE_TYPES) + c * B_CH,
                                         B_CH)])
        return carry

    lax.fori_loop(0, NCH, chunk_body, 0)


def _sc_ntype(ntype_flat, nidx2d):
    f = pl.kernel(
        _sc_ntype_body,
        out_type=jax.ShapeDtypeStruct((BATCH, EMBED), _f32),
        mesh=plsc.VectorSubcoreMesh(**_MESH),
        scratch_types=[
            pltpu.VMEM((G_W * NEIGH // 128, 128), jnp.int32),
            pltpu.VMEM((ROWS, EMBED_U), _f32),
            pltpu.VMEM((B_CH, EMBED), _f32),
            pltpu.SemaphoreType.DMA,
        ],
        compiler_params=pltpu.CompilerParams(use_tc_tiling_on_sc=False),
    )
    return f(ntype_flat, nidx2d)


def _dense_body(types_ref, ne_ref, nte_ref, s1_ref, s2_ref, w_ref, out_ref):
    types = types_ref[0, 0, :]
    x = nte_ref[...]
    ctype = lax.broadcasted_iota(jnp.int32, (_BB, EMBED), 1) // EMBED_U
    colmask = (types[:, None] == ctype).astype(_f32)
    oh8 = (types[:, None] == lax.broadcasted_iota(jnp.int32, (_BB, 8), 1)
           ).astype(_f32)
    s2sel = jnp.dot(oh8, s2_ref[...], preferred_element_type=_f32)
    s1 = s1_ref[...]

    scs = []
    for t in range(EDGE_TYPES):
        xt = x[:, t * EMBED_U:(t + 1) * EMBED_U]
        xt4 = jnp.concatenate([xt] * EDGE_TYPES, axis=1) * colmask
        h = jnp.tanh(jnp.dot(xt4, s1, preferred_element_type=_f32))
        scs.append(jnp.sum(h * s2sel, axis=1, keepdims=True))
    scores = jnp.concatenate(scs, axis=1)
    m = jnp.max(scores, axis=1, keepdims=True)
    e = jnp.exp(scores - m)
    att = e / jnp.sum(e, axis=1, keepdims=True)

    comb = att[:, 0:1] * x[:, 0:EMBED_U]
    for t in range(1, EDGE_TYPES):
        comb = comb + att[:, t:t + 1] * x[:, t * EMBED_U:(t + 1) * EMBED_U]
    comb4 = jnp.concatenate([comb] * EDGE_TYPES, axis=1) * colmask
    out = ne_ref[...] + jnp.dot(comb4, w_ref[...], preferred_element_type=_f32)
    nrm = jnp.sqrt(jnp.sum(out * out, axis=1, keepdims=True))
    out_ref[...] = out / jnp.maximum(nrm, 1e-12)


def _dense(types3d, ne_g, nte, s1f, s2p, wf):
    grid = (BATCH // _BB,)
    return pl.pallas_call(
        _dense_body,
        grid=grid,
        in_specs=[
            pl.BlockSpec((1, 1, _BB), lambda i: (i, 0, 0)),
            pl.BlockSpec((_BB, EMBED), lambda i: (i, 0)),
            pl.BlockSpec((_BB, EMBED), lambda i: (i, 0)),
            pl.BlockSpec((EMBED, DIM_A), lambda i: (0, 0)),
            pl.BlockSpec((8, DIM_A), lambda i: (0, 0)),
            pl.BlockSpec((EMBED, EMBED), lambda i: (0, 0)),
        ],
        out_specs=pl.BlockSpec((_BB, EMBED), lambda i: (i, 0)),
        out_shape=jax.ShapeDtypeStruct((BATCH, EMBED), _f32),
    )(types3d, ne_g, nte, s1f, s2p, wf)


def kernel(node_embeddings, node_type_embeddings, trans_weights,
           trans_weights_s1, trans_weights_s2, train_inputs, train_types,
           node_neigh):
    ntype_flat = node_type_embeddings.reshape(NUM_NODES * EDGE_TYPES, EMBED_U)
    tin = train_inputs.astype(jnp.int32)
    flat_idx = (node_neigh.astype(jnp.int32) * EDGE_TYPES
                + jnp.arange(EDGE_TYPES, dtype=jnp.int32)[None, :, None])
    nidx2d = flat_idx.reshape(G * NEIGH // 128, 128)

    ne_g = _sc_node(node_embeddings, tin)
    nte = _sc_ntype(ntype_flat, nidx2d)

    types3d = train_types.astype(jnp.int32).reshape(BATCH // _BB, 1, _BB)
    s1f = trans_weights_s1.reshape(EDGE_TYPES * EMBED_U, DIM_A)
    s2r = trans_weights_s2.reshape(EDGE_TYPES, DIM_A)
    s2p = jnp.concatenate([s2r, jnp.zeros((4, DIM_A), _f32)], axis=0)
    wf = trans_weights.reshape(EDGE_TYPES * EMBED_U, EMBED)
    return _dense(types3d, ne_g, nte, s1f, s2p, wf)

# --- scband reference (transcript-rebuilt; emitter-appended) ---
"""Pipeline reference for scband-gatnemodel-50929722196074 (READ-ONLY COPY).

The authoritative reference and input builder live on the scoring server;
editing this copy changes nothing except your own understanding.
"""

import jax, jax.numpy as jnp
import numpy as np
import math

NUM_NODES = 100000
EMBED = 128
EMBED_U = 32
EDGE_TYPES = 4
DIM_A = 16
BATCH = 4096
NEIGH = 10


def setup_inputs(seed: int = 0) -> dict:
    key = jax.random.key(seed)
    k1, k2, k3, k4, k5, k6, k7, k8 = jax.random.split(key, 8)
    std = 1.0 / math.sqrt(EMBED)
    node_embeddings = jax.random.uniform(k1, (NUM_NODES, EMBED), dtype=jnp.float32, minval=-1.0, maxval=1.0)
    node_type_embeddings = jax.random.uniform(k2, (NUM_NODES, EDGE_TYPES, EMBED_U), dtype=jnp.float32, minval=-1.0, maxval=1.0)
    trans_weights = jax.random.normal(k3, (EDGE_TYPES, EMBED_U, EMBED), dtype=jnp.float32) * std
    trans_weights_s1 = jax.random.normal(k4, (EDGE_TYPES, EMBED_U, DIM_A), dtype=jnp.float32) * std
    trans_weights_s2 = jax.random.normal(k5, (EDGE_TYPES, DIM_A, 1), dtype=jnp.float32) * std
    train_inputs = jax.random.randint(k6, (BATCH,), 0, NUM_NODES, dtype=jnp.int64 if jax.config.jax_enable_x64 else jnp.int32)
    train_types = jax.random.randint(k7, (BATCH,), 0, EDGE_TYPES, dtype=jnp.int64 if jax.config.jax_enable_x64 else jnp.int32)
    node_neigh = jax.random.randint(k8, (BATCH, EDGE_TYPES, NEIGH), 0, NUM_NODES, dtype=jnp.int64 if jax.config.jax_enable_x64 else jnp.int32)
    return {
        "node_embeddings": node_embeddings,
        "node_type_embeddings": node_type_embeddings,
        "trans_weights": trans_weights,
        "trans_weights_s1": trans_weights_s1,
        "trans_weights_s2": trans_weights_s2,
        "train_inputs": train_inputs,
        "train_types": train_types,
        "node_neigh": node_neigh,
    }


def reference(node_embeddings, node_type_embeddings, trans_weights, trans_weights_s1, trans_weights_s2, train_inputs, train_types, node_neigh):
    # gather node embeddings: [B, E]
    node_embed = jnp.take(node_embeddings, train_inputs, axis=0)
    # gather neighbor type embeddings: [B, T, N, T, U]
    node_embed_neighbors = jnp.take(node_type_embeddings, node_neigh, axis=0)
    # diagonal select over the two type axes: [B, T, N, U]
    node_embed_tmp = jnp.stack([node_embed_neighbors[:, i, :, i, :] for i in range(EDGE_TYPES)], axis=1)
    # sum over neighbors: [B, T, U]
    node_type_embed = jnp.sum(node_embed_tmp, axis=2)
    # gather per-example transform weights
    trans_w = jnp.take(trans_weights, train_types, axis=0)        # [B, U, E]
    trans_w_s1 = jnp.take(trans_weights_s1, train_types, axis=0)  # [B, U, A]
    trans_w_s2 = jnp.take(trans_weights_s2, train_types, axis=0)  # [B, A, 1]
    # attention: softmax over edge types
    scores = jnp.squeeze(jnp.matmul(jnp.tanh(jnp.matmul(node_type_embed, trans_w_s1)), trans_w_s2), axis=-1)  # [B, T]
    attention = jax.nn.softmax(scores, axis=1)[:, None, :]  # [B, 1, T]
    node_type_embed = jnp.matmul(attention, node_type_embed)  # [B, 1, U]
    node_embed = node_embed + jnp.squeeze(jnp.matmul(node_type_embed, trans_w), axis=1)  # [B, E]
    # F.normalize(dim=1): x / max(||x||_2, eps)
    norm = jnp.linalg.norm(node_embed, axis=1, keepdims=True)
    last_node_embed = node_embed / jnp.maximum(norm, 1e-12)
    return last_node_embed

if __name__ == "__main__":
    import jax
    _d = setup_inputs()
    print(jax.jit(kernel)(*tuple(_d.values())))

</pallas_src>

<mosaic_0001>
#map = affine_map<(d0, d1) -> (0, 0)>
#map1 = affine_map<(d0, d1) -> (0)>
module attributes {stable_mosaic.version = 14 : i64} {
  func.func @_sc_node_body(%arg0: i32, %arg1: i32, %arg2: memref<100000x128xf32, #tpu.memory_space<hbm>>, %arg3: memref<4096xi32, #tpu.memory_space<hbm>>, %arg4: memref<4096x128xf32, #tpu.memory_space<hbm>>, %arg5: memref<128xi32, #tpu.memory_space<vmem>>, %arg6: memref<128x128xf32, #tpu.memory_space<vmem>>, %arg7: memref<!tpu.dma_semaphore, #tpu.memory_space<semaphore_mem>>) attributes {dimension_semantics = [#tpu.dimension_semantics<core_parallel>, #tpu.dimension_semantics<subcore_parallel>], iteration_bounds = array<i64: 2, 16>, scalar_prefetch = 0 : i64, scratch_operands = 3 : i64, tpu.core_type = #tpu.core_type<sc_vector_subcore>, window_params = [{transform_indices = #map}, {transform_indices = #map1}, {transform_indices = #map}]} {
    %mul3A = arith.constant 2 : i32
    %mul3A_0 = arith.muli %arg1, %mul3A : i32
    %add3A = arith.addi %mul3A_0, %arg0 : i32
    %mul3A_1 = arith.constant 128 : i32
    %mul3A_2 = arith.muli %add3A, %mul3A_1 : i32
    "tpu.region"() ({
      %run_scoped3A = tpu.sem_alloc : memref<!tpu.dma_semaphore, #tpu.memory_space<semaphore_mem>>
      %dma_start3A_7 = tpu.memref_slice %arg3[%mul3A_2] : memref<4096xi32, #tpu.memory_space<hbm>> -> memref<128xi32, #tpu.memory_space<hbm>>
      %dma_start3A_8 = tpu.memref_slice %arg3[%mul3A_2] : memref<4096xi32, #tpu.memory_space<hbm>> -> memref<128xi32, #tpu.memory_space<hbm>>
      tpu.enqueue_dma source(%dma_start3A_8 : memref<128xi32, #tpu.memory_space<hbm>>) target(%arg5 : memref<128xi32, #tpu.memory_space<vmem>>) target_semaphore(%run_scoped3A : memref<!tpu.dma_semaphore, #tpu.memory_space<semaphore_mem>>)
      %dma_wait3A_9 = tpu.memref_slice %arg3[%mul3A_2] : memref<4096xi32, #tpu.memory_space<hbm>> -> memref<128xi32, #tpu.memory_space<hbm>>
      %dma_wait3A_10 = tpu.memref_slice %arg3[%mul3A_2] : memref<4096xi32, #tpu.memory_space<hbm>> -> memref<128xi32, #tpu.memory_space<hbm>>
      tpu.wait_dma2 semaphore(%run_scoped3A : memref<!tpu.dma_semaphore, #tpu.memory_space<semaphore_mem>>) src(%dma_wait3A_10 : memref<128xi32, #tpu.memory_space<hbm>>) dst(%arg5 : memref<128xi32, #tpu.memory_space<vmem>>)
      tpu.yield
    }) : () -> ()
    %dma_start3A = arith.constant 0 : i32
    %dma_start3A_3 = arith.constant 0 : i32
    %dma_start3A_4 = tpu.memref_slice %arg2[%dma_start3A, %dma_start3A_3] : memref<100000x128xf32, #tpu.memory_space<hbm>> -> memref<100000x128xf32, #tpu.memory_space<hbm>>
    tpu.enqueue_indirect_dma source(%dma_start3A_4 : memref<100000x128xf32, #tpu.memory_space<hbm>>) target(%arg6 : memref<128x128xf32, #tpu.memory_space<vmem>>) offsets(%arg5 : memref<128xi32, #tpu.memory_space<vmem>>) semaphore(%arg7 : memref<!tpu.dma_semaphore, #tpu.memory_space<semaphore_mem>>)
    %dma_wait3A = arith.constant 0 : i32
    %dma_wait3A_5 = arith.constant 0 : i32
    %dma_wait3A_6 = tpu.memref_slice %arg2[%dma_wait3A, %dma_wait3A_5] : memref<100000x128xf32, #tpu.memory_space<hbm>> -> memref<100000x128xf32, #tpu.memory_space<hbm>>
    tpu.wait_indirect_dma semaphore(%arg7 : memref<!tpu.dma_semaphore, #tpu.memory_space<semaphore_mem>>) src(%dma_wait3A_6 : memref<100000x128xf32, #tpu.memory_space<hbm>>) dst(%arg6 : memref<128x128xf32, #tpu.memory_space<vmem>>)
    "tpu.region"() ({
      %run_scoped3A = tpu.sem_alloc : memref<!tpu.dma_semaphore, #tpu.memory_space<semaphore_mem>>
      %dma_start3A_7 = arith.constant 0 : i32
      %dma_start3A_8 = tpu.memref_slice %arg4[%mul3A_2, %dma_start3A_7] : memref<4096x128xf32, #tpu.memory_space<hbm>> -> memref<128x128xf32, #tpu.memory_space<hbm>>
      %dma_start3A_9 = arith.constant 0 : i32
      %dma_start3A_10 = tpu.memref_slice %arg4[%mul3A_2, %dma_start3A_9] : memref<4096x128xf32, #tpu.memory_space<hbm>> -> memref<128x128xf32, #tpu.memory_space<hbm>>
      tpu.enqueue_dma source(%arg6 : memref<128x128xf32, #tpu.memory_space<vmem>>) target(%dma_start3A_10 : memref<128x128xf32, #tpu.memory_space<hbm>>) target_semaphore(%run_scoped3A : memref<!tpu.dma_semaphore, #tpu.memory_space<semaphore_mem>>)
      %dma_wait3A_11 = arith.constant 0 : i32
      %dma_wait3A_12 = tpu.memref_slice %arg4[%mul3A_2, %dma_wait3A_11] : memref<4096x128xf32, #tpu.memory_space<hbm>> -> memref<128x128xf32, #tpu.memory_space<hbm>>
      %dma_wait3A_13 = arith.constant 0 : i32
      %dma_wait3A_14 = tpu.memref_slice %arg4[%mul3A_2, %dma_wait3A_13] : memref<4096x128xf32, #tpu.memory_space<hbm>> -> memref<128x128xf32, #tpu.memory_space<hbm>>
      tpu.wait_dma2 semaphore(%run_scoped3A : memref<!tpu.dma_semaphore, #tpu.memory_space<semaphore_mem>>) src(%arg6 : memref<128x128xf32, #tpu.memory_space<vmem>>) dst(%dma_wait3A_14 : memref<128x128xf32, #tpu.memory_space<hbm>>)
      tpu.yield
    }) : () -> ()
    return
  }
}

#map = affine_map<(d0, d1) -> (0, 0)>
module attributes {stable_mosaic.version = 14 : i64} {
  func.func @_sc_ntype_body(%arg0: i32, %arg1: i32, %arg2: memref<400000x32xf32, #tpu.memory_space<hbm>>, %arg3: memref<1280x128xi32, #tpu.memory_space<hbm>>, %arg4: memref<4096x128xf32, #tpu.memory_space<hbm>>, %arg5: memref<40x128xi32, #tpu.memory_space<vmem>>, %arg6: memref<640x32xf32, #tpu.memory_space<vmem>>, %arg7: memref<16x128xf32, #tpu.memory_space<vmem>>, %arg8: memref<!tpu.dma_semaphore, #tpu.memory_space<semaphore_mem>>) attributes {dimension_semantics = [#tpu.dimension_semantics<core_parallel>, #tpu.dimension_semantics<subcore_parallel>], iteration_bounds = array<i64: 2, 16>, scalar_prefetch = 0 : i64, scratch_operands = 4 : i64, tpu.core_type = #tpu.core_type<sc_vector_subcore>, window_params = [{transform_indices = #map}, {transform_indices = #map}, {transform_indices = #map}]} {
    %mul3A = arith.constant 2 : i32
    %mul3A_0 = arith.muli %arg1, %mul3A : i32
    %add3A = arith.addi %mul3A_0, %arg0 : i32
    %mul3A_1 = arith.constant 40 : i32
    %mul3A_2 = arith.muli %add3A, %mul3A_1 : i32
    "tpu.region"() ({
      %run_scoped3A = tpu.sem_alloc : memref<!tpu.dma_semaphore, #tpu.memory_space<semaphore_mem>>
      %dma_start3A = arith.constant 0 : i32
      %dma_start3A_8 = tpu.memref_slice %arg3[%mul3A_2, %dma_start3A] : memref<1280x128xi32, #tpu.memory_space<hbm>> -> memref<40x128xi32, #tpu.memory_space<hbm>>
      %dma_start3A_9 = arith.constant 0 : i32
      %dma_start3A_10 = tpu.memref_slice %arg3[%mul3A_2, %dma_start3A_9] : memref<1280x128xi32, #tpu.memory_space<hbm>> -> memref<40x128xi32, #tpu.memory_space<hbm>>
      tpu.enqueue_dma source(%dma_start3A_10 : memref<40x128xi32, #tpu.memory_space<hbm>>) target(%arg5 : memref<40x128xi32, #tpu.memory_space<vmem>>) target_semaphore(%run_scoped3A : memref<!tpu.dma_semaphore, #tpu.memory_space<semaphore_mem>>)
      %dma_wait3A = arith.constant 0 : i32
      %dma_wait3A_11 = tpu.memref_slice %arg3[%mul3A_2, %dma_wait3A] : memref<1280x128xi32, #tpu.memory_space<hbm>> -> memref<40x128xi32, #tpu.memory_space<hbm>>
      %dma_wait3A_12 = arith.constant 0 : i32
      %dma_wait3A_13 = tpu.memref_slice %arg3[%mul3A_2, %dma_wait3A_12] : memref<1280x128xi32, #tpu.memory_space<hbm>> -> memref<40x128xi32, #tpu.memory_space<hbm>>
      tpu.wait_dma2 semaphore(%run_scoped3A : memref<!tpu.dma_semaphore, #tpu.memory_space<semaphore_mem>>) src(%dma_wait3A_13 : memref<40x128xi32, #tpu.memory_space<hbm>>) dst(%arg5 : memref<40x128xi32, #tpu.memory_space<vmem>>)
      tpu.yield
    }) : () -> ()
    %scan3A = arith.constant 0 : i32
    %scan3A_3 = arith.constant 0 : i32
    %scan3A_4 = arith.constant 8 : i32
    %scan3A_5 = arith.addi %scan3A_3, %scan3A_4 : i32
    %scan3A_6 = arith.constant 1 : i32
    scf.for %scan3A_8 = %scan3A_3 to %scan3A_5 step %scan3A_6  : i32 {
      %mul3A_9 = arith.constant 5 : i32
      %mul3A_10 = arith.muli %scan3A_8, %mul3A_9 : i32
      %add3A_11 = arith.constant 0 : i32
      %add3A_12 = arith.addi %mul3A_10, %add3A_11 : i32
      %dma_start3A = arith.constant 0 : i32
      %dma_start3A_13 = arith.constant 0 : i32
      %dma_start3A_14 = tpu.memref_slice %arg6[%dma_start3A, %dma_start3A_13] : memref<640x32xf32, #tpu.memory_space<vmem>> -> memref<128x32xf32, #tpu.memory_space<vmem>>
      %dma_start3A_15 = arith.constant 0 : i32
      %dma_start3A_16 = tpu.memref_slice %arg5[%add3A_12, %dma_start3A_15] : memref<40x128xi32, #tpu.memory_space<vmem>> -> memref<1x128xi32, #tpu.memory_space<vmem>>
      %dma_start3A_17 = tpu.memref_squeeze %dma_start3A_16 : memref<1x128xi32, #tpu.memory_space<vmem>> -> memref<128xi32, #tpu.memory_space<vmem>>
      %dma_start3A_18 = arith.constant 0 : i32
      %dma_start3A_19 = arith.constant 0 : i32
      %dma_start3A_20 = tpu.memref_slice %arg2[%dma_start3A_18, %dma_start3A_19] : memref<400000x32xf32, #tpu.memory_space<hbm>> -> memref<400000x32xf32, #tpu.memory_space<hbm>>
      tpu.enqueue_indirect_dma source(%dma_start3A_20 : memref<400000x32xf32, #tpu.memory_space<hbm>>) target(%dma_start3A_14 : memref<128x32xf32, #tpu.memory_space<vmem>>) offsets(%dma_start3A_17 : memref<128xi32, #tpu.memory_space<vmem>>) semaphore(%arg8 : memref<!tpu.dma_semaphore, #tpu.memory_space<semaphore_mem>>)
      %mul3A_21 = arith.constant 5 : i32
      %mul3A_22 = arith.muli %scan3A_8, %mul3A_21 : i32
      %add3A_23 = arith.constant 1 : i32
      %add3A_24 = arith.addi %mul3A_22, %add3A_23 : i32
      %dma_start3A_25 = arith.constant 128 : i32
      %dma_start3A_26 = arith.constant 0 : i32
      %dma_start3A_27 = tpu.memref_slice %arg6[%dma_start3A_25, %dma_start3A_26] : memref<640x32xf32, #tpu.memory_space<vmem>> -> memref<128x32xf32, #tpu.memory_space<vmem>>
      %dma_start3A_28 = arith.constant 0 : i32
      %dma_start3A_29 = tpu.memref_slice %arg5[%add3A_24, %dma_start3A_28] : memref<40x128xi32, #tpu.memory_space<vmem>> -> memref<1x128xi32, #tpu.memory_space<vmem>>
      %dma_start3A_30 = tpu.memref_squeeze %dma_start3A_29 : memref<1x128xi32, #tpu.memory_space<vmem>> -> memref<128xi32, #tpu.memory_space<vmem>>
      %dma_start3A_31 = arith.constant 0 : i32
      %dma_start3A_32 = arith.constant 0 : i32
      %dma_start3A_33 = tpu.memref_slice %arg2[%dma_start3A_31, %dma_start3A_32] : memref<400000x32xf32, #tpu.memory_space<hbm>> -> memref<400000x32xf32, #tpu.memory_space<hbm>>
      tpu.enqueue_indirect_dma source(%dma_start3A_33 : memref<400000x32xf32, #tpu.memory_space<hbm>>) target(%dma_start3A_27 : memref<128x32xf32, #tpu.memory_space<vmem>>) offsets(%dma_start3A_30 : memref<128xi32, #tpu.memory_space<vmem>>) semaphore(%arg8 : memref<!tpu.dma_semaphore, #tpu.memory_space<semaphore_mem>>)
      %mul3A_34 = arith.constant 5 : i32
      %mul3A_35 = arith.muli %scan3A_8, %mul3A_34 : i32
      %add3A_36 = arith.constant 2 : i32
      %add3A_37 = arith.addi %mul3A_35, %add3A_36 : i32
      %dma_start3A_38 = arith.constant 256 : i32
      %dma_start3A_39 = arith.constant 0 : i32
      %dma_start3A_40 = tpu.memref_slice %arg6[%dma_start3A_38, %dma_start3A_39] : memref<640x32xf32, #tpu.memory_space<vmem>> -> memref<128x32xf32, #tpu.memory_space<vmem>>
      %dma_start3A_41 = arith.constant 0 : i32
      %dma_start3A_42 = tpu.memref_slice %arg5[%add3A_37, %dma_start3A_41] : memref<40x128xi32, #tpu.memory_space<vmem>> -> memref<1x128xi32, #tpu.memory_space<vmem>>
      %dma_start3A_43 = tpu.memref_squeeze %dma_start3A_42 : memref<1x128xi32, #tpu.memory_space<vmem>> -> memref<128xi32, #tpu.memory_space<vmem>>
      %dma_start3A_44 = arith.constant 0 : i32
      %dma_start3A_45 = arith.constant 0 : i32
      %dma_start3A_46 = tpu.memref_slice %arg2[%dma_start3A_44, %dma_start3A_45] : memref<400000x32xf32, #tpu.memory_space<hbm>> -> memref<400000x32xf32, #tpu.memory_space<hbm>>
      tpu.enqueue_indirect_dma source(%dma_start3A_46 : memref<400000x32xf32, #tpu.memory_space<hbm>>) target(%dma_start3A_40 : memref<128x32xf32, #tpu.memory_space<vmem>>) offsets(%dma_start3A_43 : memref<128xi32, #tpu.memory_space<vmem>>) semaphore(%arg8 : memref<!tpu.dma_semaphore, #tpu.memory_space<semaphore_mem>>)
      %mul3A_47 = arith.constant 5 : i32
      %mul3A_48 = arith.muli %scan3A_8, %mul3A_47 : i32
      %add3A_49 = arith.constant 3 : i32
      %add3A_50 = arith.addi %mul3A_48, %add3A_49 : i32
      %dma_start3A_51 = arith.constant 384 : i32
      %dma_start3A_52 = arith.constant 0 : i32
      %dma_start3A_53 = tpu.memref_slice %arg6[%dma_start3A_51, %dma_start3A_52] : memref<640x32xf32, #tpu.memory_space<vmem>> -> memref<128x32xf32, #tpu.memory_space<vmem>>
      %dma_start3A_54 = arith.constant 0 : i32
      %dma_start3A_55 = tpu.memref_slice %arg5[%add3A_50, %dma_start3A_54] : memref<40x128xi32, #tpu.memory_space<vmem>> -> memref<1x128xi32, #tpu.memory_space<vmem>>
      %dma_start3A_56 = tpu.memref_squeeze %dma_start3A_55 : memref<1x128xi32, #tpu.memory_space<vmem>> -> memref<128xi32, #tpu.memory_space<vmem>>
      %dma_start3A_57 = arith.constant 0 : i32
      %dma_start3A_58 = arith.constant 0 : i32
      %dma_start3A_59 = tpu.memref_slice %arg2[%dma_start3A_57, %dma_start3A_58] : memref<400000x32xf32, #tpu.memory_space<hbm>> -> memref<400000x32xf32, #tpu.memory_space<hbm>>
      tpu.enqueue_indirect_dma source(%dma_start3A_59 : memref<400000x32xf32, #tpu.memory_space<hbm>>) target(%dma_start3A_53 : memref<128x32xf32, #tpu.memory_space<vmem>>) offsets(%dma_start3A_56 : memref<128xi32, #tpu.memory_space<vmem>>) semaphore(%arg8 : memref<!tpu.dma_semaphore, #tpu.memory_space<semaphore_mem>>)
      %mul3A_60 = arith.constant 5 : i32
      %mul3A_61 = arith.muli %scan3A_8, %mul3A_60 : i32
      %add3A_62 = arith.constant 4 : i32
      %add3A_63 = arith.addi %mul3A_61, %add3A_62 : i32
      %dma_start3A_64 = arith.constant 512 : i32
      %dma_start3A_65 = arith.constant 0 : i32
      %dma_start3A_66 = tpu.memref_slice %arg6[%dma_start3A_64, %dma_start3A_65] : memref<640x32xf32, #tpu.memory_space<vmem>> -> memref<128x32xf32, #tpu.memory_space<vmem>>
      %dma_start3A_67 = arith.constant 0 : i32
      %dma_start3A_68 = tpu.memref_slice %arg5[%add3A_63, %dma_start3A_67] : memref<40x128xi32, #tpu.memory_space<vmem>> -> memref<1x128xi32, #tpu.memory_space<vmem>>
      %dma_start3A_69 = tpu.memref_squeeze %dma_start3A_68 : memref<1x128xi32, #tpu.memory_space<vmem>> -> memref<128xi32, #tpu.memory_space<vmem>>
      %dma_start3A_70 = arith.constant 0 : i32
      %dma_start3A_71 = arith.constant 0 : i32
      %dma_start3A_72 = tpu.memref_slice %arg2[%dma_start3A_70, %dma_start3A_71] : memref<400000x32xf32, #tpu.memory_space<hbm>> -> memref<400000x32xf32, #tpu.memory_space<hbm>>
      tpu.enqueue_indirect_dma source(%dma_start3A_72 : memref<400000x32xf32, #tpu.memory_space<hbm>>) target(%dma_start3A_66 : memref<128x32xf32, #tpu.memory_space<vmem>>) offsets(%dma_start3A_69 : memref<128xi32, #tpu.memory_space<vmem>>) semaphore(%arg8 : memref<!tpu.dma_semaphore, #tpu.memory_space<semaphore_mem>>)
      %dma_wait3A = arith.constant 0 : i32
      %dma_wait3A_73 = arith.constant 0 : i32
      %dma_wait3A_74 = tpu.memref_slice %arg6[%dma_wait3A, %dma_wait3A_73] : memref<640x32xf32, #tpu.memory_space<vmem>> -> memref<128x32xf32, #tpu.memory_space<vmem>>
      %dma_wait3A_75 = arith.constant 0 : i32
      %dma_wait3A_76 = tpu.memref_slice %arg5[%add3A_12, %dma_wait3A_75] : memref<40x128xi32, #tpu.memory_space<vmem>> -> memref<1x128xi32, #tpu.memory_space<vmem>>
      %dma_wait3A_77 = tpu.memref_squeeze %dma_wait3A_76 : memref<1x128xi32, #tpu.memory_space<vmem>> -> memref<128xi32, #tpu.memory_space<vmem>>
      %dma_wait3A_78 = arith.constant 0 : i32
      %dma_wait3A_79 = arith.constant 0 : i32
      %dma_wait3A_80 = tpu.memref_slice %arg2[%dma_wait3A_78, %dma_wait3A_79] : memref<400000x32xf32, #tpu.memory_space<hbm>> -> memref<400000x32xf32, #tpu.memory_space<hbm>>
      tpu.wait_indirect_dma semaphore(%arg8 : memref<!tpu.dma_semaphore, #tpu.memory_space<semaphore_mem>>) src(%dma_wait3A_80 : memref<400000x32xf32, #tpu.memory_space<hbm>>) dst(%dma_wait3A_74 : memref<128x32xf32, #tpu.memory_space<vmem>>)
      %dma_wait3A_81 = arith.constant 128 : i32
      %dma_wait3A_82 = arith.constant 0 : i32
      %dma_wait3A_83 = tpu.memref_slice %arg6[%dma_wait3A_81, %dma_wait3A_82] : memref<640x32xf32, #tpu.memory_space<vmem>> -> memref<128x32xf32, #tpu.memory_space<vmem>>
      %dma_wait3A_84 = arith.constant 0 : i32
      %dma_wait3A_85 = tpu.memref_slice %arg5[%add3A_24, %dma_wait3A_84] : memref<40x128xi32, #tpu.memory_space<vmem>> -> memref<1x128xi32, #tpu.memory_space<vmem>>
      %dma_wait3A_86 = tpu.memref_squeeze %dma_wait3A_85 : memref<1x128xi32, #tpu.memory_space<vmem>> -> memref<128xi32, #tpu.memory_space<vmem>>
      %dma_wait3A_87 = arith.constant 0 : i32
      %dma_wait3A_88 = arith.constant 0 : i32
      %dma_wait3A_89 = tpu.memref_slice %arg2[%dma_wait3A_87, %dma_wait3A_88] : memref<400000x32xf32, #tpu.memory_space<hbm>> -> memref<400000x32xf32, #tpu.memory_space<hbm>>
      tpu.wait_indirect_dma semaphore(%arg8 : memref<!tpu.dma_semaphore, #tpu.memory_space<semaphore_mem>>) src(%dma_wait3A_89 : memref<400000x32xf32, #tpu.memory_space<hbm>>) dst(%dma_wait3A_83 : memref<128x32xf32, #tpu.memory_space<vmem>>)
      %dma_wait3A_90 = arith.constant 256 : i32
      %dma_wait3A_91 = arith.constant 0 : i32
      %dma_wait3A_92 = tpu.memref_slice %arg6[%dma_wait3A_90, %dma_wait3A_91] : memref<640x32xf32, #tpu.memory_space<vmem>> -> memref<128x32xf32, #tpu.memory_space<vmem>>
      %dma_wait3A_93 = arith.constant 0 : i32
      %dma_wait3A_94 = tpu.memref_slice %arg5[%add3A_37, %dma_wait3A_93] : memref<40x128xi32, #tpu.memory_space<vmem>> -> memref<1x128xi32, #tpu.memory_space<vmem>>
      %dma_wait3A_95 = tpu.memref_squeeze %dma_wait3A_94 : memref<1x128xi32, #tpu.memory_space<vmem>> -> memref<128xi32, #tpu.memory_space<vmem>>
      %dma_wait3A_96 = arith.constant 0 : i32
      %dma_wait3A_97 = arith.constant 0 : i32
      %dma_wait3A_98 = tpu.memref_slice %arg2[%dma_wait3A_96, %dma_wait3A_97] : memref<400000x32xf32, #tpu.memory_space<hbm>> -> memref<400000x32xf32, #tpu.memory_space<hbm>>
      tpu.wait_indirect_dma semaphore(%arg8 : memref<!tpu.dma_semaphore, #tpu.memory_space<semaphore_mem>>) src(%dma_wait3A_98 : memref<400000x32xf32, #tpu.memory_space<hbm>>) dst(%dma_wait3A_92 : memref<128x32xf32, #tpu.memory_space<vmem>>)
      %dma_wait3A_99 = arith.constant 384 : i32
      %dma_wait3A_100 = arith.constant 0 : i32
      %dma_wait3A_101 = tpu.memref_slice %arg6[%dma_wait3A_99, %dma_wait3A_100] : memref<640x32xf32, #tpu.memory_space<vmem>> -> memref<128x32xf32, #tpu.memory_space<vmem>>
      %dma_wait3A_102 = arith.constant 0 : i32
      %dma_wait3A_103 = tpu.memref_slice %arg5[%add3A_50, %dma_wait3A_102] : memref<40x128xi32, #tpu.memory_space<vmem>> -> memref<1x128xi32, #tpu.memory_space<vmem>>
      %dma_wait3A_104 = tpu.memref_squeeze %dma_wait3A_103 : memref<1x128xi32, #tpu.memory_space<vmem>> -> memref<128xi32, #tpu.memory_space<vmem>>
      %dma_wait3A_105 = arith.constant 0 : i32
      %dma_wait3A_106 = arith.constant 0 : i32
      %dma_wait3A_107 = tpu.memref_slice %arg2[%dma_wait3A_105, %dma_wait3A_106] : memref<400000x32xf32, #tpu.memory_space<hbm>> -> memref<400000x32xf32, #tpu.memory_space<hbm>>
      tpu.wait_indirect_dma semaphore(%arg8 : memref<!tpu.dma_semaphore, #tpu.memory_space<semaphore_mem>>) src(%dma_wait3A_107 : memref<400000x32xf32, #tpu.memory_space<hbm>>) dst(%dma_wait3A_101 : memref<128x32xf32, #tpu.memory_space<vmem>>)
      %dma_wait3A_108 = arith.constant 512 : i32
      %dma_wait3A_109 = arith.constant 0 : i32
      %dma_wait3A_110 = tpu.memref_slice %arg6[%dma_wait3A_108, %dma_wait3A_109] : memref<640x32xf32, #tpu.memory_space<vmem>> -> memref<128x32xf32, #tpu.memory_space<vmem>>
      %dma_wait3A_111 = arith.constant 0 : i32
      %dma_wait3A_112 = tpu.memref_slice %arg5[%add3A_63, %dma_wait3A_111] : memref<40x128xi32, #tpu.memory_space<vmem>> -> memref<1x128xi32, #tpu.memory_space<vmem>>
      %dma_wait3A_113 = tpu.memref_squeeze %dma_wait3A_112 : memref<1x128xi32, #tpu.memory_space<vmem>> -> memref<128xi32, #tpu.memory_space<vmem>>
      %dma_wait3A_114 = arith.constant 0 : i32
      %dma_wait3A_115 = arith.constant 0 : i32
      %dma_wait3A_116 = tpu.memref_slice %arg2[%dma_wait3A_114, %dma_wait3A_115] : memref<400000x32xf32, #tpu.memory_space<hbm>> -> memref<400000x32xf32, #tpu.memory_space<hbm>>
      tpu.wait_indirect_dma semaphore(%arg8 : memref<!tpu.dma_semaphore, #tpu.memory_space<semaphore_mem>>) src(%dma_wait3A_116 : memref<400000x32xf32, #tpu.memory_space<hbm>>) dst(%dma_wait3A_110 : memref<128x32xf32, #tpu.memory_space<vmem>>)
      %scan3A_117 = arith.constant 0 : i32
      %scan3A_118 = arith.constant 0 : i32
      %scan3A_119 = arith.constant 16 : i32
      %scan3A_120 = arith.addi %scan3A_118, %scan3A_119 : i32
      %scan3A_121 = arith.constant 1 : i32
      scf.for %scan3A_128 = %scan3A_118 to %scan3A_120 step %scan3A_121  : i32 {
        %mul3A_129 = arith.constant 4 : i32
        %mul3A_130 = arith.muli %scan3A_128, %mul3A_129 : i32
        %mul3A_131 = arith.constant 10 : i32
        %mul3A_132 = arith.muli %mul3A_130, %mul3A_131 : i32
        %add3A_133 = arith.constant 0 : i32
        %add3A_134 = arith.addi %mul3A_132, %add3A_133 : i32
        %get3A = arith.index_cast %add3A_134 : i32 to index
        %get3A_135 = arith.constant 0 : index
        %get3A_136 = tpu.vector_load %arg6[%get3A, %get3A_135] {strides = array<i32>} : memref<640x32xf32, #tpu.memory_space<vmem>>, vector<1x16xf32>,
        %get3A_137 = vector.shape_cast %get3A_136 : vector<1x16xf32> to vector<16xf32>
        %add3A_138 = arith.constant 1 : i32
        %add3A_139 = arith.addi %add3A_134, %add3A_138 : i32
        %get3A_140 = arith.index_cast %add3A_139 : i32 to index
        %get3A_141 = arith.constant 0 : index
        %get3A_142 = tpu.vector_load %arg6[%get3A_140, %get3A_141] {strides = array<i32>} : memref<640x32xf32, #tpu.memory_space<vmem>>, vector<1x16xf32>,
        %get3A_143 = vector.shape_cast %get3A_142 : vector<1x16xf32> to vector<16xf32>
        %add3A_144 = arith.addf %get3A_137, %get3A_143 : vector<16xf32>
        %add3A_145 = arith.constant 2 : i32
        %add3A_146 = arith.addi %add3A_134, %add3A_145 : i32
        %get3A_147 = arith.index_cast %add3A_146 : i32 to index
        %get3A_148 = arith.constant 0 : index
        %get3A_149 = tpu.vector_load %arg6[%get3A_147, %get3A_148] {strides = array<i32>} : memref<640x32xf32, #tpu.memory_space<vmem>>, vector<1x16xf32>,
        %get3A_150 = vector.shape_cast %get3A_149 : vector<1x16xf32> to vector<16xf32>
        %add3A_151 = arith.addf %add3A_144, %get3A_150 : vector<16xf32>
        %add3A_152 = arith.constant 3 : i32
        %add3A_153 = arith.addi %add3A_134, %add3A_152 : i32
        %get3A_154 = arith.index_cast %add3A_153 : i32 to index
        %get3A_155 = arith.constant 0 : index
        %get3A_156 = tpu.vector_load %arg6[%get3A_154, %get3A_155] {strides = array<i32>} : memref<640x32xf32, #tpu.memory_space<vmem>>, vector<1x16xf32>,
        %get3A_157 = vector.shape_cast %get3A_156 : vector<1x16xf32> to vector<16xf32>
        %add3A_158 = arith.addf %add3A_151, %get3A_157 : vector<16xf32>
        %add3A_159 = arith.constant 4 : i32
        %add3A_160 = arith.addi %add3A_134, %add3A_159 : i32
        %get3A_161 = arith.index_cast %add3A_160 : i32 to index
        %get3A_162 = arith.constant 0 : index
        %get3A_163 = tpu.vector_load %arg6[%get3A_161, %get3A_162] {strides = array<i32>} : memref<640x32xf32, #tpu.memory_space<vmem>>, vector<1x16xf32>,
        %get3A_164 = vector.shape_cast %get3A_163 : vector<1x16xf32> to vector<16xf32>
        %add3A_165 = arith.addf %add3A_158, %get3A_164 : vector<16xf32>
        %add3A_166 = arith.constant 5 : i32
        %add3A_167 = arith.addi %add3A_134, %add3A_166 : i32
        %get3A_168 = arith.index_cast %add3A_167 : i32 to index
        %get3A_169 = arith.constant 0 : index
        %get3A_170 = tpu.vector_load %arg6[%get3A_168, %get3A_169] {strides = array<i32>} : memref<640x32xf32, #tpu.memory_space<vmem>>, vector<1x16xf32>,
        %get3A_171 = vector.shape_cast %get3A_170 : vector<1x16xf32> to vector<16xf32>
        %add3A_172 = arith.addf %add3A_165, %get3A_171 : vector<16xf32>
        %add3A_173 = arith.constant 6 : i32
        %add3A_174 = arith.addi %add3A_134, %add3A_173 : i32
        %get3A_175 = arith.index_cast %add3A_174 : i32 to index
        %get3A_176 = arith.constant 0 : index
        %get3A_177 = tpu.vector_load %arg6[%get3A_175, %get3A_176] {strides = array<i32>} : memref<640x32xf32, #tpu.memory_space<vmem>>, vector<1x16xf32>,
        %get3A_178 = vector.shape_cast %get3A_177 : vector<1x16xf32> to vector<16xf32>
        %add3A_179 = arith.addf %add3A_172, %get3A_178 : vector<16xf32>
        %add3A_180 = arith.constant 7 : i32
        %add3A_181 = arith.addi %add3A_134, %add3A_180 : i32
        %get3A_182 = arith.index_cast %add3A_181 : i32 to index
        %get3A_183 = arith.constant 0 : index
        %get3A_184 = tpu.vector_load %arg6[%get3A_182, %get3A_183] {strides = array<i32>} : memref<640x32xf32, #tpu.memory_space<vmem>>, vector<1x16xf32>,
        %get3A_185 = vector.shape_cast %get3A_184 : vector<1x16xf32> to vector<16xf32>
        %add3A_186 = arith.addf %add3A_179, %get3A_185 : vector<16xf32>
        %add3A_187 = arith.constant 8 : i32
        %add3A_188 = arith.addi %add3A_134, %add3A_187 : i32
        %get3A_189 = arith.index_cast %add3A_188 : i32 to index
        %get3A_190 = arith.constant 0 : index
        %get3A_191 = tpu.vector_load %arg6[%get3A_189, %get3A_190] {strides = array<i32>} : memref<640x32xf32, #tpu.memory_space<vmem>>, vector<1x16xf32>,
        %get3A_192 = vector.shape_cast %get3A_191 : vector<1x16xf32> to vector<16xf32>
        %add3A_193 = arith.addf %add3A_186, %get3A_192 : vector<16xf32>
        %add3A_194 = arith.constant 9 : i32
        %add3A_195 = arith.addi %add3A_134, %add3A_194 : i32
        %get3A_196 = arith.index_cast %add3A_195 : i32 to index
        %get3A_197 = arith.constant 0 : index
        %get3A_198 = tpu.vector_load %arg6[%get3A_196, %get3A_197] {strides = array<i32>} : memref<640x32xf32, #tpu.memory_space<vmem>>, vector<1x16xf32>,
        %get3A_199 = vector.shape_cast %get3A_198 : vector<1x16xf32> to vector<16xf32>
        %add3A_200 = arith.addf %add3A_193, %get3A_199 : vector<16xf32>
        %swap3A = arith.index_cast %scan3A_128 : i32 to index
        %swap3A_201 = arith.constant 0 : index
        %swap3A_202 = tpu.vector_load %arg7[%swap3A, %swap3A_201] {strides = array<i32>} : memref<16x128xf32, #tpu.memory_space<vmem>>, vector<1x16xf32>,
        %swap3A_203 = vector.shape_cast %swap3A_202 : vector<1x16xf32> to vector<16xf32>
        %swap3A_204 = vector.shape_cast %add3A_200 : vector<16xf32> to vector<1x16xf32>
        tpu.vector_store %arg7[%swap3A, %swap3A_201], %swap3A_204 {strides = array<i32>} : memref<16x128xf32, #tpu.memory_space<vmem>>, vector<1x16xf32>,
        %get3A_205 = arith.index_cast %add3A_134 : i32 to index
        %get3A_206 = arith.constant 16 : index
        %get3A_207 = tpu.vector_load %arg6[%get3A_205, %get3A_206] {strides = array<i32>} : memref<640x32xf32, #tpu.memory_space<vmem>>, vector<1x16xf32>,
        %get3A_208 = vector.shape_cast %get3A_207 : vector<1x16xf32> to vector<16xf32>
        %add3A_209 = arith.constant 1 : i32
        %add3A_210 = arith.addi %add3A_134, %add3A_209 : i32
        %get3A_211 = arith.index_cast %add3A_210 : i32 to index
        %get3A_212 = arith.constant 16 : index
        %get3A_213 = tpu.vector_load %arg6[%get3A_211, %get3A_212] {strides = array<i32>} : memref<640x32xf32, #tpu.memory_space<vmem>>, vector<1x16xf32>,
        %get3A_214 = vector.shape_cast %get3A_213 : vector<1x16xf32> to vector<16xf32>
        %add3A_215 = arith.addf %get3A_208, %get3A_214 : vector<16xf32>
        %add3A_216 = arith.constant 2 : i32
        %add3A_217 = arith.addi %add3A_134, %add3A_216 : i32
        %get3A_218 = arith.index_cast %add3A_217 : i32 to index
        %get3A_219 = arith.constant 16 : index
        %get3A_220 = tpu.vector_load %arg6[%get3A_218, %get3A_219] {strides = array<i32>} : memref<640x32xf32, #tpu.memory_space<vmem>>, vector<1x16xf32>,
        %get3A_221 = vector.shape_cast %get3A_220 : vector<1x16xf32> to vector<16xf32>
        %add3A_222 = arith.addf %add3A_215, %get3A_221 : vector<16xf32>
        %add3A_223 = arith.constant 3 : i32
        %add3A_224 = arith.addi %add3A_134, %add3A_223 : i32
        %get3A_225 = arith.index_cast %add3A_224 : i32 to index
        %get3A_226 = arith.constant 16 : index
        %get3A_227 = tpu.vector_load %arg6[%get3A_225, %get3A_226] {strides = array<i32>} : memref<640x32xf32, #tpu.memory_space<vmem>>, vector<1x16xf32>,
        %get3A_228 = vector.shape_cast %get3A_227 : vector<1x16xf32> to vector<16xf32>
        %add3A_229 = arith.addf %add3A_222, %get3A_228 : vector<16xf32>
        %add3A_230 = arith.constant 4 : i32
        %add3A_231 = arith.addi %add3A_134, %add3A_230 : i32
        %get3A_232 = arith.index_cast %add3A_231 : i32 to index
        %get3A_233 = arith.constant 16 : index
        %get3A_234 = tpu.vector_load %arg6[%get3A_232, %get3A_233] {strides = array<i32>} : memref<640x32xf32, #tpu.memory_space<vmem>>, vector<1x16xf32>,
        %get3A_235 = vector.shape_cast %get3A_234 : vector<1x16xf32> to vector<16xf32>
        %add3A_236 = arith.addf %add3A_229, %get3A_235 : vector<16xf32>
        %add3A_237 = arith.constant 5 : i32
        %add3A_238 = arith.addi %add3A_134, %add3A_237 : i32
        %get3A_239 = arith.index_cast %add3A_238 : i32 to index
        %get3A_240 = arith.constant 16 : index
        %get3A_241 = tpu.vector_load %arg6[%get3A_239, %get3A_240] {strides = array<i32>} : memref<640x32xf32, #tpu.memory_space<vmem>>, vector<1x16xf32>,
        %get3A_242 = vector.shape_cast %get3A_241 : vector<1x16xf32> to vector<16xf32>
        %add3A_243 = arith.addf %add3A_236, %get3A_242 : vector<16xf32>
        %add3A_244 = arith.constant 6 : i32
        %add3A_245 = arith.addi %add3A_134, %add3A_244 : i32
        %get3A_246 = arith.index_cast %add3A_245 : i32 to index
        %get3A_247 = arith.constant 16 : index
        %get3A_248 = tpu.vector_load %arg6[%get3A_246, %get3A_247] {strides = array<i32>} : memref<640x32xf32, #tpu.memory_space<vmem>>, vector<1x16xf32>,
        %get3A_249 = vector.shape_cast %get3A_248 : vector<1x16xf32> to vector<16xf32>
        %add3A_250 = arith.addf %add3A_243, %get3A_249 : vector<16xf32>
        %add3A_251 = arith.constant 7 : i32
        %add3A_252 = arith.addi %add3A_134, %add3A_251 : i32
        %get3A_253 = arith.index_cast %add3A_252 : i32 to index
        %get3A_254 = arith.constant 16 : index
        %get3A_255 = tpu.vector_load %arg6[%get3A_253, %get3A_254] {strides = array<i32>} : memref<640x32xf32, #tpu.memory_space<vmem>>, vector<1x16xf32>,
        %get3A_256 = vector.shape_cast %get3A_255 : vector<1x16xf32> to vector<16xf32>
        %add3A_257 = arith.addf %add3A_250, %get3A_256 : vector<16xf32>
        %add3A_258 = arith.constant 8 : i32
        %add3A_259 = arith.addi %add3A_134, %add3A_258 : i32
        %get3A_260 = arith.index_cast %add3A_259 : i32 to index
        %get3A_261 = arith.constant 16 : index
        %get3A_262 = tpu.vector_load %arg6[%get3A_260, %get3A_261] {strides = array<i32>} : memref<640x32xf32, #tpu.memory_space<vmem>>, vector<1x16xf32>,
        %get3A_263 = vector.shape_cast %get3A_262 : vector<1x16xf32> to vector<16xf32>
        %add3A_264 = arith.addf %add3A_257, %get3A_263 : vector<16xf32>
        %add3A_265 = arith.constant 9 : i32
        %add3A_266 = arith.addi %add3A_134, %add3A_265 : i32
        %get3A_267 = arith.index_cast %add3A_266 : i32 to index
        %get3A_268 = arith.constant 16 : index
        %get3A_269 = tpu.vector_load %arg6[%get3A_267, %get3A_268] {strides = array<i32>} : memref<640x32xf32, #tpu.memory_space<vmem>>, vector<1x16xf32>,
        %get3A_270 = vector.shape_cast %get3A_269 : vector<1x16xf32> to vector<16xf32>
        %add3A_271 = arith.addf %add3A_264, %get3A_270 : vector<16xf32>
        %swap3A_272 = arith.index_cast %scan3A_128 : i32 to index
        %swap3A_273 = arith.constant 16 : index
        %swap3A_274 = tpu.vector_load %arg7[%swap3A_272, %swap3A_273] {strides = array<i32>} : memref<16x128xf32, #tpu.memory_space<vmem>>, vector<1x16xf32>,
        %swap3A_275 = vector.shape_cast %swap3A_274 : vector<1x16xf32> to vector<16xf32>
        %swap3A_276 = vector.shape_cast %add3A_271 : vector<16xf32> to vector<1x16xf32>
        tpu.vector_store %arg7[%swap3A_272, %swap3A_273], %swap3A_276 {strides = array<i32>} : memref<16x128xf32, #tpu.memory_space<vmem>>, vector<1x16xf32>,
        %add3A_277 = arith.constant 10 : i32
        %add3A_278 = arith.addi %mul3A_132, %add3A_277 : i32
        %get3A_279 = arith.index_cast %add3A_278 : i32 to index
        %get3A_280 = arith.constant 0 : index
        %get3A_281 = tpu.vector_load %arg6[%get3A_279, %get3A_280] {strides = array<i32>} : memref<640x32xf32, #tpu.memory_space<vmem>>, vector<1x16xf32>,
        %get3A_282 = vector.shape_cast %get3A_281 : vector<1x16xf32> to vector<16xf32>
        %add3A_283 = arith.constant 1 : i32
        %add3A_284 = arith.addi %add3A_278, %add3A_283 : i32
        %get3A_285 = arith.index_cast %add3A_284 : i32 to index
        %get3A_286 = arith.constant 0 : index
        %get3A_287 = tpu.vector_load %arg6[%get3A_285, %get3A_286] {strides = array<i32>} : memref<640x32xf32, #tpu.memory_space<vmem>>, vector<1x16xf32>,
        %get3A_288 = vector.shape_cast %get3A_287 : vector<1x16xf32> to vector<16xf32>
        %add3A_289 = arith.addf %get3A_282, %get3A_288 : vector<16xf32>
        %add3A_290 = arith.constant 2 : i32
        %add3A_291 = arith.addi %add3A_278, %add3A_290 : i32
        %get3A_292 = arith.index_cast %add3A_291 : i32 to index
        %get3A_293 = arith.constant 0 : index
        %get3A_294 = tpu.vector_load %arg6[%get3A_292, %get3A_293] {strides = array<i32>} : memref<640x32xf32, #tpu.memory_space<vmem>>, vector<1x16xf32>,
        %get3A_295 = vector.shape_cast %get3A_294 : vector<1x16xf32> to vector<16xf32>
        %add3A_296 = arith.addf %add3A_289, %get3A_295 : vector<16xf32>
        %add3A_297 = arith.constant 3 : i32
        %add3A_298 = arith.addi %add3A_278, %add3A_297 : i32
        %get3A_299 = arith.index_cast %add3A_298 : i32 to index
        %get3A_300 = arith.constant 0 : index
        %get3A_301 = tpu.vector_load %arg6[%get3A_299, %get3A_300] {strides = array<i32>} : memref<640x32xf32, #tpu.memory_space<vmem>>, vector<1x16xf32>,
        %get3A_302 = vector.shape_cast %get3A_301 : vector<1x16xf32> to vector<16xf32>
        %add3A_303 = arith.addf %add3A_296, %get3A_302 : vector<16xf32>
        %add3A_304 = arith.constant 4 : i32
        %add3A_305 = arith.addi %add3A_278, %add3A_304 : i32
        %get3A_306 = arith.index_cast %add3A_305 : i32 to index
        %get3A_307 = arith.constant 0 : index
        %get3A_308 = tpu.vector_load %arg6[%get3A_306, %get3A_307] {strides = array<i32>} : memref<640x32xf32, #tpu.memory_space<vmem>>, vector<1x16xf32>,
        %get3A_309 = vector.shape_cast %get3A_308 : vector<1x16xf32> to vector<16xf32>
        %add3A_310 = arith.addf %add3A_303, %get3A_309 : vector<16xf32>
        %add3A_311 = arith.constant 5 : i32
        %add3A_312 = arith.addi %add3A_278, %add3A_311 : i32
        %get3A_313 = arith.index_cast %add3A_312 : i32 to index
        %get3A_314 = arith.constant 0 : index
        %get3A_315 = tpu.vector_load %arg6[%get3A_313, %get3A_314] {strides = array<i32>} : memref<640x32xf32, #tpu.memory_space<vmem>>, vector<1x16xf32>,
        %get3A_316 = vector.shape_cast %get3A_315 : vector<1x16xf32> to vector<16xf32>
        %add3A_317 = arith.addf %add3A_310, %get3A_316 : vector<16xf32>
        %add3A_318 = arith.constant 6 : i32
        %add3A_319 = arith.addi %add3A_278, %add3A_318 : i32
        %get3A_320 = arith.index_cast %add3A_319 : i32 to index
        %get3A_321 = arith.constant 0 : index
        %get3A_322 = tpu.vector_load %arg6[%get3A_320, %get3A_321] {strides = array<i32>} : memref<640x32xf32, #tpu.memory_space<vmem>>, vector<1x16xf32>,
        %get3A_323 = vector.shape_cast %get3A_322 : vector<1x16xf32> to vector<16xf32>
        %add3A_324 = arith.addf %add3A_317, %get3A_323 : vector<16xf32>
        %add3A_325 = arith.constant 7 : i32
        %add3A_326 = arith.addi %add3A_278, %add3A_325 : i32
        %get3A_327 = arith.index_cast %add3A_326 : i32 to index
        %get3A_328 = arith.constant 0 : index
        %get3A_329 = tpu.vector_load %arg6[%get3A_327, %get3A_328] {strides = array<i32>} : memref<640x32xf32, #tpu.memory_space<vmem>>, vector<1x16xf32>,
        %get3A_330 = vector.shape_cast %get3A_329 : vector<1x16xf32> to vector<16xf32>
        %add3A_331 = arith.addf %add3A_324, %get3A_330 : vector<16xf32>
        %add3A_332 = arith.constant 8 : i32
        %add3A_333 = arith.addi %add3A_278, %add3A_332 : i32
        %get3A_334 = arith.index_cast %add3A_333 : i32 to index
        %get3A_335 = arith.constant 0 : index
        %get3A_336 = tpu.vector_load %arg6[%get3A_334, %get3A_335] {strides = array<i32>} : memref<640x32xf32, #tpu.memory_space<vmem>>, vector<1x16xf32>,
        %get3A_337 = vector.shape_cast %get3A_336 : vector<1x16xf32> to vector<16xf32>
        %add3A_338 = arith.addf %add3A_331, %get3A_337 : vector<16xf32>
        %add3A_339 = arith.constant 9 : i32
        %add3A_340 = arith.addi %add3A_278, %add3A_339 : i32
        %get3A_341 = arith.index_cast %add3A_340 : i32 to index
        %get3A_342 = arith.constant 0 : index
        %get3A_343 = tpu.vector_load %arg6[%get3A_341, %get3A_342] {strides = array<i32>} : memref<640x32xf32, #tpu.memory_space<vmem>>, vector<1x16xf32>,
        %get3A_344 = vector.shape_cast %get3A_343 : vector<1x16xf32> to vector<16xf32>
        %add3A_345 = arith.addf %add3A_338, %get3A_344 : vector<16xf32>
        %swap3A_346 = arith.index_cast %scan3A_128 : i32 to index
        %swap3A_347 = arith.constant 32 : index
        %swap3A_348 = tpu.vector_load %arg7[%swap3A_346, %swap3A_347] {strides = array<i32>} : memref<16x128xf32, #tpu.memory_space<vmem>>, vector<1x16xf32>,
        %swap3A_349 = vector.shape_cast %swap3A_348 : vector<1x16xf32> to vector<16xf32>
        %swap3A_350 = vector.shape_cast %add3A_345 : vector<16xf32> to vector<1x16xf32>
        tpu.vector_store %arg7[%swap3A_346, %swap3A_347], %swap3A_350 {strides = array<i32>} : memref<16x128xf32, #tpu.memory_space<vmem>>, vector<1x16xf32>,
        %get3A_351 = arith.index_cast %add3A_278 : i32 to index
        %get3A_352 = arith.constant 16 : index
        %get3A_353 = tpu.vector_load %arg6[%get3A_351, %get3A_352] {strides = array<i32>} : memref<640x32xf32, #tpu.memory_space<vmem>>, vector<1x16xf32>,
        %get3A_354 = vector.shape_cast %get3A_353 : vector<1x16xf32> to vector<16xf32>
        %add3A_355 = arith.constant 1 : i32
        %add3A_356 = arith.addi %add3A_278, %add3A_355 : i32
        %get3A_357 = arith.index_cast %add3A_356 : i32 to index
        %get3A_358 = arith.constant 16 : index
        %get3A_359 = tpu.vector_load %arg6[%get3A_357, %get3A_358] {strides = array<i32>} : memref<640x32xf32, #tpu.memory_space<vmem>>, vector<1x16xf32>,
        %get3A_360 = vector.shape_cast %get3A_359 : vector<1x16xf32> to vector<16xf32>
        %add3A_361 = arith.addf %get3A_354, %get3A_360 : vector<16xf32>
        %add3A_362 = arith.constant 2 : i32
        %add3A_363 = arith.addi %add3A_278, %add3A_362 : i32
        %get3A_364 = arith.index_cast %add3A_363 : i32 to index
        %get3A_365 = arith.constant 16 : index
        %get3A_366 = tpu.vector_load %arg6[%get3A_364, %get3A_365] {strides = array<i32>} : memref<640x32xf32, #tpu.memory_space<vmem>>, vector<1x16xf32>,
        %get3A_367 = vector.shape_cast %get3A_366 : vector<1x16xf32> to vector<16xf32>
        %add3A_368 = arith.addf %add3A_361, %get3A_367 : vector<16xf32>
        %add3A_369 = arith.constant 3 : i32
        %add3A_370 = arith.addi %add3A_278, %add3A_369 : i32
        %get3A_371 = arith.index_cast %add3A_370 : i32 to index
        %get3A_372 = arith.constant 16 : index
        %get3A_373 = tpu.vector_load %arg6[%get3A_371, %get3A_372] {strides = array<i32>} : memref<640x32xf32, #tpu.memory_space<vmem>>, vector<1x16xf32>,
        %get3A_374 = vector.shape_cast %get3A_373 : vector<1x16xf32> to vector<16xf32>
        %add3A_375 = arith.addf %add3A_368, %get3A_374 : vector<16xf32>
        %add3A_376 = arith.constant 4 : i32
        %add3A_377 = arith.addi %add3A_278, %add3A_376 : i32
        %get3A_378 = arith.index_cast %add3A_377 : i32 to index
        %get3A_379 = arith.constant 16 : index
        %get3A_380 = tpu.vector_load %arg6[%get3A_378, %get3A_379] {strides = array<i32>} : memref<640x32xf32, #tpu.memory_space<vmem>>, vector<1x16xf32>,
        %get3A_381 = vector.shape_cast %get3A_380 : vector<1x16xf32> to vector<16xf32>
        %add3A_382 = arith.addf %add3A_375, %get3A_381 : vector<16xf32>
        %add3A_383 = arith.constant 5 : i32
        %add3A_384 = arith.addi %add3A_278, %add3A_383 : i32
        %get3A_385 = arith.index_cast %add3A_384 : i32 to index
        %get3A_386 = arith.constant 16 : index
        %get3A_387 = tpu.vector_load %arg6[%get3A_385, %get3A_386] {strides = array<i32>} : memref<640x32xf32, #tpu.memory_space<vmem>>, vector<1x16xf32>,
        %get3A_388 = vector.shape_cast %get3A_387 : vector<1x16xf32> to vector<16xf32>
        %add3A_389 = arith.addf %add3A_382, %get3A_388 : vector<16xf32>
        %add3A_390 = arith.constant 6 : i32
        %add3A_391 = arith.addi %add3A_278, %add3A_390 : i32
        %get3A_392 = arith.index_cast %add3A_391 : i32 to index
        %get3A_393 = arith.constant 16 : index
        %get3A_394 = tpu.vector_load %arg6[%get3A_392, %get3A_393] {strides = array<i32>} : memref<640x32xf32, #tpu.memory_space<vmem>>, vector<1x16xf32>,
        %get3A_395 = vector.shape_cast %get3A_394 : vector<1x16xf32> to vector<16xf32>
        %add3A_396 = arith.addf %add3A_389, %get3A_395 : vector<16xf32>
        %add3A_397 = arith.constant 7 : i32
        %add3A_398 = arith.addi %add3A_278, %add3A_397 : i32
        %get3A_399 = arith.index_cast %add3A_398 : i32 to index
        %get3A_400 = arith.constant 16 : index
        %get3A_401 = tpu.vector_load %arg6[%get3A_399, %get3A_400] {strides = array<i32>} : memref<640x32xf32, #tpu.memory_space<vmem>>, vector<1x16xf32>,
        %get3A_402 = vector.shape_cast %get3A_401 : vector<1x16xf32> to vector<16xf32>
        %add3A_403 = arith.addf %add3A_396, %get3A_402 : vector<16xf32>
        %add3A_404 = arith.constant 8 : i32
        %add3A_405 = arith.addi %add3A_278, %add3A_404 : i32
        %get3A_406 = arith.index_cast %add3A_405 : i32 to index
        %get3A_407 = arith.constant 16 : index
        %get3A_408 = tpu.vector_load %arg6[%get3A_406, %get3A_407] {strides = array<i32>} : memref<640x32xf32, #tpu.memory_space<vmem>>, vector<1x16xf32>,
        %get3A_409 = vector.shape_cast %get3A_408 : vector<1x16xf32> to vector<16xf32>
        %add3A_410 = arith.addf %add3A_403, %get3A_409 : vector<16xf32>
        %add3A_411 = arith.constant 9 : i32
        %add3A_412 = arith.addi %add3A_278, %add3A_411 : i32
        %get3A_413 = arith.index_cast %add3A_412 : i32 to index
        %get3A_414 = arith.constant 16 : index
        %get3A_415 = tpu.vector_load %arg6[%get3A_413, %get3A_414] {strides = array<i32>} : memref<640x32xf32, #tpu.memory_space<vmem>>, vector<1x16xf32>,
        %get3A_416 = vector.shape_cast %get3A_415 : vector<1x16xf32> to vector<16xf32>
        %add3A_417 = arith.addf %add3A_410, %get3A_416 : vector<16xf32>
        %swap3A_418 = arith.index_cast %scan3A_128 : i32 to index
        %swap3A_419 = arith.constant 48 : index
        %swap3A_420 = tpu.vector_load %arg7[%swap3A_418, %swap3A_419] {strides = array<i32>} : memref<16x128xf32, #tpu.memory_space<vmem>>, vector<1x16xf32>,
        %swap3A_421 = vector.shape_cast %swap3A_420 : vector<1x16xf32> to vector<16xf32>
        %swap3A_422 = vector.shape_cast %add3A_417 : vector<16xf32> to vector<1x16xf32>
        tpu.vector_store %arg7[%swap3A_418, %swap3A_419], %swap3A_422 {strides = array<i32>} : memref<16x128xf32, #tpu.memory_space<vmem>>, vector<1x16xf32>,
        %add3A_423 = arith.constant 20 : i32
        %add3A_424 = arith.addi %mul3A_132, %add3A_423 : i32
        %get3A_425 = arith.index_cast %add3A_424 : i32 to index
        %get3A_426 = arith.constant 0 : index
        %get3A_427 = tpu.vector_load %arg6[%get3A_425, %get3A_426] {strides = array<i32>} : memref<640x32xf32, #tpu.memory_space<vmem>>, vector<1x16xf32>,
        %get3A_428 = vector.shape_cast %get3A_427 : vector<1x16xf32> to vector<16xf32>
        %add3A_429 = arith.constant 1 : i32
        %add3A_430 = arith.addi %add3A_424, %add3A_429 : i32
        %get3A_431 = arith.index_cast %add3A_430 : i32 to index
        %get3A_432 = arith.constant 0 : index
        %get3A_433 = tpu.vector_load %arg6[%get3A_431, %get3A_432] {strides = array<i32>} : memref<640x32xf32, #tpu.memory_space<vmem>>, vector<1x16xf32>,
        %get3A_434 = vector.shape_cast %get3A_433 : vector<1x16xf32> to vector<16xf32>
        %add3A_435 = arith.addf %get3A_428, %get3A_434 : vector<16xf32>
        %add3A_436 = arith.constant 2 : i32
        %add3A_437 = arith.addi %add3A_424, %add3A_436 : i32
        %get3A_438 = arith.index_cast %add3A_437 : i32 to index
        %get3A_439 = arith.constant 0 : index
        %get3A_440 = tpu.vector_load %arg6[%get3A_438, %get3A_439] {strides = array<i32>} : memref<640x32xf32, #tpu.memory_space<vmem>>, vector<1x16xf32>,
        %get3A_441 = vector.shape_cast %get3A_440 : vector<1x16xf32> to vector<16xf32>
        %add3A_442 = arith.addf %add3A_435, %get3A_441 : vector<16xf32>
        %add3A_443 = arith.constant 3 : i32
        %add3A_444 = arith.addi %add3A_424, %add3A_443 : i32
        %get3A_445 = arith.index_cast %add3A_444 : i32 to index
        %get3A_446 = arith.constant 0 : index
        %get3A_447 = tpu.vector_load %arg6[%get3A_445, %get3A_446] {strides = array<i32>} : memref<640x32xf32, #tpu.memory_space<vmem>>, vector<1x16xf32>,
        %get3A_448 = vector.shape_cast %get3A_447 : vector<1x16xf32> to vector<16xf32>
        %add3A_449 = arith.addf %add3A_442, %get3A_448 : vector<16xf32>
        %add3A_450 = arith.constant 4 : i32
        %add3A_451 = arith.addi %add3A_424, %add3A_450 : i32
        %get3A_452 = arith.index_cast %add3A_451 : i32 to index
        %get3A_453 = arith.constant 0 : index
        %get3A_454 = tpu.vector_load %arg6[%get3A_452, %get3A_453] {strides = array<i32>} : memref<640x32xf32, #tpu.memory_space<vmem>>, vector<1x16xf32>,
        %get3A_455 = vector.shape_cast %get3A_454 : vector<1x16xf32> to vector<16xf32>
        %add3A_456 = arith.addf %add3A_449, %get3A_455 : vector<16xf32>
        %add3A_457 = arith.constant 5 : i32
        %add3A_458 = arith.addi %add3A_424, %add3A_457 : i32
        %get3A_459 = arith.index_cast %add3A_458 : i32 to index
        %get3A_460 = arith.constant 0 : index
        %get3A_461 = tpu.vector_load %arg6[%get3A_459, %get3A_460] {strides = array<i32>} : memref<640x32xf32, #tpu.memory_space<vmem>>, vector<1x16xf32>,
        %get3A_462 = vector.shape_cast %get3A_461 : vector<1x16xf32> to vector<16xf32>
        %add3A_463 = arith.addf %add3A_456, %get3A_462 : vector<16xf32>
        %add3A_464 = arith.constant 6 : i32
        %add3A_465 = arith.addi %add3A_424, %add3A_464 : i32
        %get3A_466 = arith.index_cast %add3A_465 : i32 to index
        %get3A_467 = arith.constant 0 : index
        %get3A_468 = tpu.vector_load %arg6[%get3A_466, %get3A_467] {strides = array<i32>} : memref<640x32xf32, #tpu.memory_space<vmem>>, vector<1x16xf32>,
        %get3A_469 = vector.shape_cast %get3A_468 : vector<1x16xf32> to vector<16xf32>
        %add3A_470 = arith.addf %add3A_463, %get3A_469 : vector<16xf32>
        %add3A_471 = arith.constant 7 : i32
        %add3A_472 = arith.addi %add3A_424, %add3A_471 : i32
        %get3A_473 = arith.index_cast %add3A_472 : i32 to index
        %get3A_474 = arith.constant 0 : index
        %get3A_475 = tpu.vector_load %arg6[%get3A_473, %get3A_474] {strides = array<i32>} : memref<640x32xf32, #tpu.memory_space<vmem>>, vector<1x16xf32>,
        %get3A_476 = vector.shape_cast %get3A_475 : vector<1x16xf32> to vector<16xf32>
        %add3A_477 = arith.addf %add3A_470, %get3A_476 : vector<16xf32>
        %add3A_478 = arith.constant 8 : i32
        %add3A_479 = arith.addi %add3A_424, %add3A_478 : i32
        %get3A_480 = arith.index_cast %add3A_479 : i32 to index
        %get3A_481 = arith.constant 0 : index
        %get3A_482 = tpu.vector_load %arg6[%get3A_480, %get3A_481] {strides = array<i32>} : memref<640x32xf32, #tpu.memory_space<vmem>>, vector<1x16xf32>,
        %get3A_483 = vector.shape_cast %get3A_482 : vector<1x16xf32> to vector<16xf32>
        %add3A_484 = arith.addf %add3A_477, %get3A_483 : vector<16xf32>
        %add3A_485 = arith.constant 9 : i32
        %add3A_486 = arith.addi %add3A_424, %add3A_485 : i32
        %get3A_487 = arith.index_cast %add3A_486 : i32 to index
        %get3A_488 = arith.constant 0 : index
        %get3A_489 = tpu.vector_load %arg6[%get3A_487, %get3A_488] {strides = array<i32>} : memref<640x32xf32, #tpu.memory_space<vmem>>, vector<1x16xf32>,
        %get3A_490 = vector.shape_cast %get3A_489 : vector<1x16xf32> to vector<16xf32>
        %add3A_491 = arith.addf %add3A_484, %get3A_490 : vector<16xf32>
        %swap3A_492 = arith.index_cast %scan3A_128 : i32 to index
        %swap3A_493 = arith.constant 64 : index
        %swap3A_494 = tpu.vector_load %arg7[%swap3A_492, %swap3A_493] {strides = array<i32>} : memref<16x128xf32, #tpu.memory_space<vmem>>, vector<1x16xf32>,
        %swap3A_495 = vector.shape_cast %swap3A_494 : vector<1x16xf32> to vector<16xf32>
        %swap3A_496 = vector.shape_cast %add3A_491 : vector<16xf32> to vector<1x16xf32>
        tpu.vector_store %arg7[%swap3A_492, %swap3A_493], %swap3A_496 {strides = array<i32>} : memref<16x128xf32, #tpu.memory_space<vmem>>, vector<1x16xf32>,
        %get3A_497 = arith.index_cast %add3A_424 : i32 to index
        %get3A_498 = arith.constant 16 : index
        %get3A_499 = tpu.vector_load %arg6[%get3A_497, %get3A_498] {strides = array<i32>} : memref<640x32xf32, #tpu.memory_space<vmem>>, vector<1x16xf32>,
        %get3A_500 = vector.shape_cast %get3A_499 : vector<1x16xf32> to vector<16xf32>
        %add3A_501 = arith.constant 1 : i32
        %add3A_502 = arith.addi %add3A_424, %add3A_501 : i32
        %get3A_503 = arith.index_cast %add3A_502 : i32 to index
        %get3A_504 = arith.constant 16 : index
        %get3A_505 = tpu.vector_load %arg6[%get3A_503, %get3A_504] {strides = array<i32>} : memref<640x32xf32, #tpu.memory_space<vmem>>, vector<1x16xf32>,
        %get3A_506 = vector.shape_cast %get3A_505 : vector<1x16xf32> to vector<16xf32>
        %add3A_507 = arith.addf %get3A_500, %get3A_506 : vector<16xf32>
        %add3A_508 = arith.constant 2 : i32
        %add3A_509 = arith.addi %add3A_424, %add3A_508 : i32
        %get3A_510 = arith.index_cast %add3A_509 : i32 to index
        %get3A_511 = arith.constant 16 : index
        %get3A_512 = tpu.vector_load %arg6[%get3A_510, %get3A_511] {strides = array<i32>} : memref<640x32xf32, #tpu.memory_space<vmem>>, vector<1x16xf32>,
        %get3A_513 = vector.shape_cast %get3A_512 : vector<1x16xf32> to vector<16xf32>
        %add3A_514 = arith.addf %add3A_507, %get3A_513 : vector<16xf32>
        %add3A_515 = arith.constant 3 : i32
        %add3A_516 = arith.addi %add3A_424, %add3A_515 : i32
        %get3A_517 = arith.index_cast %add3A_516 : i32 to index
        %get3A_518 = arith.constant 16 : index
        %get3A_519 = tpu.vector_load %arg6[%get3A_517, %get3A_518] {strides = array<i32>} : memref<640x32xf32, #tpu.memory_space<vmem>>, vector<1x16xf32>,
        %get3A_520 = vector.shape_cast %get3A_519 : vector<1x16xf32> to vector<16xf32>
        %add3A_521 = arith.addf %add3A_514, %get3A_520 : vector<16xf32>
        %add3A_522 = arith.constant 4 : i32
        %add3A_523 = arith.addi %add3A_424, %add3A_522 : i32
        %get3A_524 = arith.index_cast %add3A_523 : i32 to index
        %get3A_525 = arith.constant 16 : index
        %get3A_526 = tpu.vector_load %arg6[%get3A_524, %get3A_525] {strides = array<i32>} : memref<640x32xf32, #tpu.memory_space<vmem>>, vector<1x16xf32>,
        %get3A_527 = vector.shape_cast %get3A_526 : vector<1x16xf32> to vector<16xf32>
        %add3A_528 = arith.addf %add3A_521, %get3A_527 : vector<16xf32>
        %add3A_529 = arith.constant 5 : i32
        %add3A_530 = arith.addi %add3A_424, %add3A_529 : i32
        %get3A_531 = arith.index_cast %add3A_530 : i32 to index
        %get3A_532 = arith.constant 16 : index
        %get3A_533 = tpu.vector_load %arg6[%get3A_531, %get3A_532] {strides = array<i32>} : memref<640x32xf32, #tpu.memory_space<vmem>>, vector<1x16xf32>,
        %get3A_534 = vector.shape_cast %get3A_533 : vector<1x16xf32> to vector<16xf32>
        %add3A_535 = arith.addf %add3A_528, %get3A_534 : vector<16xf32>
        %add3A_536 = arith.constant 6 : i32
        %add3A_537 = arith.addi %add3A_424, %add3A_536 : i32
        %get3A_538 = arith.index_cast %add3A_537 : i32 to index
        %get3A_539 = arith.constant 16 : index
        %get3A_540 = tpu.vector_load %arg6[%get3A_538, %get3A_539] {strides = array<i32>} : memref<640x32xf32, #tpu.memory_space<vmem>>, vector<1x16xf32>,
        %get3A_541 = vector.shape_cast %get3A_540 : vector<1x16xf32> to vector<16xf32>
        %add3A_542 = arith.addf %add3A_535, %get3A_541 : vector<16xf32>
        %add3A_543 = arith.constant 7 : i32
        %add3A_544 = arith.addi %add3A_424, %add3A_543 : i32
        %get3A_545 = arith.index_cast %add3A_544 : i32 to index
        %get3A_546 = arith.constant 16 : index
        %get3A_547 = tpu.vector_load %arg6[%get3A_545, %get3A_546] {strides = array<i32>} : memref<640x32xf32, #tpu.memory_space<vmem>>, vector<1x16xf32>,
        %get3A_548 = vector.shape_cast %get3A_547 : vector<1x16xf32> to vector<16xf32>
        %add3A_549 = arith.addf %add3A_542, %get3A_548 : vector<16xf32>
        %add3A_550 = arith.constant 8 : i32
        %add3A_551 = arith.addi %add3A_424, %add3A_550 : i32
        %get3A_552 = arith.index_cast %add3A_551 : i32 to index
        %get3A_553 = arith.constant 16 : index
        %get3A_554 = tpu.vector_load %arg6[%get3A_552, %get3A_553] {strides = array<i32>} : memref<640x32xf32, #tpu.memory_space<vmem>>, vector<1x16xf32>,
        %get3A_555 = vector.shape_cast %get3A_554 : vector<1x16xf32> to vector<16xf32>
        %add3A_556 = arith.addf %add3A_549, %get3A_555 : vector<16xf32>
        %add3A_557 = arith.constant 9 : i32
        %add3A_558 = arith.addi %add3A_424, %add3A_557 : i32
        %get3A_559 = arith.index_cast %add3A_558 : i32 to index
        %get3A_560 = arith.constant 16 : index
        %get3A_561 = tpu.vector_load %arg6[%get3A_559, %get3A_560] {strides = array<i32>} : memref<640x32xf32, #tpu.memory_space<vmem>>, vector<1x16xf32>,
        %get3A_562 = vector.shape_cast %get3A_561 : vector<1x16xf32> to vector<16xf32>
        %add3A_563 = arith.addf %add3A_556, %get3A_562 : vector<16xf32>
        %swap3A_564 = arith.index_cast %scan3A_128 : i32 to index
        %swap3A_565 = arith.constant 80 : index
        %swap3A_566 = tpu.vector_load %arg7[%swap3A_564, %swap3A_565] {strides = array<i32>} : memref<16x128xf32, #tpu.memory_space<vmem>>, vector<1x16xf32>,
        %swap3A_567 = vector.shape_cast %swap3A_566 : vector<1x16xf32> to vector<16xf32>
        %swap3A_568 = vector.shape_cast %add3A_563 : vector<16xf32> to vector<1x16xf32>
        tpu.vector_store %arg7[%swap3A_564, %swap3A_565], %swap3A_568 {strides = array<i32>} : memref<16x128xf32, #tpu.memory_space<vmem>>, vector<1x16xf32>,
        %add3A_569 = arith.constant 30 : i32
        %add3A_570 = arith.addi %mul3A_132, %add3A_569 : i32
        %get3A_571 = arith.index_cast %add3A_570 : i32 to index
        %get3A_572 = arith.constant 0 : index
        %get3A_573 = tpu.vector_load %arg6[%get3A_571, %get3A_572] {strides = array<i32>} : memref<640x32xf32, #tpu.memory_space<vmem>>, vector<1x16xf32>,
        %get3A_574 = vector.shape_cast %get3A_573 : vector<1x16xf32> to vector<16xf32>
        %add3A_575 = arith.constant 1 : i32
        %add3A_576 = arith.addi %add3A_570, %add3A_575 : i32
        %get3A_577 = arith.index_cast %add3A_576 : i32 to index
        %get3A_578 = arith.constant 0 : index
        %get3A_579 = tpu.vector_load %arg6[%get3A_577, %get3A_578] {strides = array<i32>} : memref<640x32xf32, #tpu.memory_space<vmem>>, vector<1x16xf32>,
        %get3A_580 = vector.shape_cast %get3A_579 : vector<1x16xf32> to vector<16xf32>
        %add3A_581 = arith.addf %get3A_574, %get3A_580 : vector<16xf32>
        %add3A_582 = arith.constant 2 : i32
        %add3A_583 = arith.addi %add3A_570, %add3A_582 : i32
        %get3A_584 = arith.index_cast %add3A_583 : i32 to index
        %get3A_585 = arith.constant 0 : index
        %get3A_586 = tpu.vector_load %arg6[%get3A_584, %get3A_585] {strides = array<i32>} : memref<640x32xf32, #tpu.memory_space<vmem>>, vector<1x16xf32>,
        %get3A_587 = vector.shape_cast %get3A_586 : vector<1x16xf32> to vector<16xf32>
        %add3A_588 = arith.addf %add3A_581, %get3A_587 : vector<16xf32>
        %add3A_589 = arith.constant 3 : i32
        %add3A_590 = arith.addi %add3A_570, %add3A_589 : i32
        %get3A_591 = arith.index_cast %add3A_590 : i32 to index
        %get3A_592 = arith.constant 0 : index
        %get3A_593 = tpu.vector_load %arg6[%get3A_591, %get3A_592] {strides = array<i32>} : memref<640x32xf32, #tpu.memory_space<vmem>>, vector<1x16xf32>,
        %get3A_594 = vector.shape_cast %get3A_593 : vector<1x16xf32> to vector<16xf32>
        %add3A_595 = arith.addf %add3A_588, %get3A_594 : vector<16xf32>
        %add3A_596 = arith.constant 4 : i32
        %add3A_597 = arith.addi %add3A_570, %add3A_596 : i32
        %get3A_598 = arith.index_cast %add3A_597 : i32 to index
        %get3A_599 = arith.constant 0 : index
        %get3A_600 = tpu.vector_load %arg6[%get3A_598, %get3A_599] {strides = array<i32>} : memref<640x32xf32, #tpu.memory_space<vmem>>, vector<1x16xf32>,
        %get3A_601 = vector.shape_cast %get3A_600 : vector<1x16xf32> to vector<16xf32>
        %add3A_602 = arith.addf %add3A_595, %get3A_601 : vector<16xf32>
        %add3A_603 = arith.constant 5 : i32
        %add3A_604 = arith.addi %add3A_570, %add3A_603 : i32
        %get3A_605 = arith.index_cast %add3A_604 : i32 to index
        %get3A_606 = arith.constant 0 : index
        %get3A_607 = tpu.vector_load %arg6[%get3A_605, %get3A_606] {strides = array<i32>} : memref<640x32xf32, #tpu.memory_space<vmem>>, vector<1x16xf32>,
        %get3A_608 = vector.shape_cast %get3A_607 : vector<1x16xf32> to vector<16xf32>
        %add3A_609 = arith.addf %add3A_602, %get3A_608 : vector<16xf32>
        %add3A_610 = arith.constant 6 : i32
        %add3A_611 = arith.addi %add3A_570, %add3A_610 : i32
        %get3A_612 = arith.index_cast %add3A_611 : i32 to index
        %get3A_613 = arith.constant 0 : index
        %get3A_614 = tpu.vector_load %arg6[%get3A_612, %get3A_613] {strides = array<i32>} : memref<640x32xf32, #tpu.memory_space<vmem>>, vector<1x16xf32>,
        %get3A_615 = vector.shape_cast %get3A_614 : vector<1x16xf32> to vector<16xf32>
        %add3A_616 = arith.addf %add3A_609, %get3A_615 : vector<16xf32>
        %add3A_617 = arith.constant 7 : i32
        %add3A_618 = arith.addi %add3A_570, %add3A_617 : i32
        %get3A_619 = arith.index_cast %add3A_618 : i32 to index
        %get3A_620 = arith.constant 0 : index
        %get3A_621 = tpu.vector_load %arg6[%get3A_619, %get3A_620] {strides = array<i32>} : memref<640x32xf32, #tpu.memory_space<vmem>>, vector<1x16xf32>,
        %get3A_622 = vector.shape_cast %get3A_621 : vector<1x16xf32> to vector<16xf32>
        %add3A_623 = arith.addf %add3A_616, %get3A_622 : vector<16xf32>
        %add3A_624 = arith.constant 8 : i32
        %add3A_625 = arith.addi %add3A_570, %add3A_624 : i32
        %get3A_626 = arith.index_cast %add3A_625 : i32 to index
        %get3A_627 = arith.constant 0 : index
        %get3A_628 = tpu.vector_load %arg6[%get3A_626, %get3A_627] {strides = array<i32>} : memref<640x32xf32, #tpu.memory_space<vmem>>, vector<1x16xf32>,
        %get3A_629 = vector.shape_cast %get3A_628 : vector<1x16xf32> to vector<16xf32>
        %add3A_630 = arith.addf %add3A_623, %get3A_629 : vector<16xf32>
        %add3A_631 = arith.constant 9 : i32
        %add3A_632 = arith.addi %add3A_570, %add3A_631 : i32
        %get3A_633 = arith.index_cast %add3A_632 : i32 to index
        %get3A_634 = arith.constant 0 : index
        %get3A_635 = tpu.vector_load %arg6[%get3A_633, %get3A_634] {strides = array<i32>} : memref<640x32xf32, #tpu.memory_space<vmem>>, vector<1x16xf32>,
        %get3A_636 = vector.shape_cast %get3A_635 : vector<1x16xf32> to vector<16xf32>
        %add3A_637 = arith.addf %add3A_630, %get3A_636 : vector<16xf32>
        %swap3A_638 = arith.index_cast %scan3A_128 : i32 to index
        %swap3A_639 = arith.constant 96 : index
        %swap3A_640 = tpu.vector_load %arg7[%swap3A_638, %swap3A_639] {strides = array<i32>} : memref<16x128xf32, #tpu.memory_space<vmem>>, vector<1x16xf32>,
        %swap3A_641 = vector.shape_cast %swap3A_640 : vector<1x16xf32> to vector<16xf32>
        %swap3A_642 = vector.shape_cast %add3A_637 : vector<16xf32> to vector<1x16xf32>
        tpu.vector_store %arg7[%swap3A_638, %swap3A_639], %swap3A_642 {strides = array<i32>} : memref<16x128xf32, #tpu.memory_space<vmem>>, vector<1x16xf32>,
        %get3A_643 = arith.index_cast %add3A_570 : i32 to index
        %get3A_644 = arith.constant 16 : index
        %get3A_645 = tpu.vector_load %arg6[%get3A_643, %get3A_644] {strides = array<i32>} : memref<640x32xf32, #tpu.memory_space<vmem>>, vector<1x16xf32>,
        %get3A_646 = vector.shape_cast %get3A_645 : vector<1x16xf32> to vector<16xf32>
        %add3A_647 = arith.constant 1 : i32
        %add3A_648 = arith.addi %add3A_570, %add3A_647 : i32
        %get3A_649 = arith.index_cast %add3A_648 : i32 to index
        %get3A_650 = arith.constant 16 : index
        %get3A_651 = tpu.vector_load %arg6[%get3A_649, %get3A_650] {strides = array<i32>} : memref<640x32xf32, #tpu.memory_space<vmem>>, vector<1x16xf32>,
        %get3A_652 = vector.shape_cast %get3A_651 : vector<1x16xf32> to vector<16xf32>
        %add3A_653 = arith.addf %get3A_646, %get3A_652 : vector<16xf32>
        %add3A_654 = arith.constant 2 : i32
        %add3A_655 = arith.addi %add3A_570, %add3A_654 : i32
        %get3A_656 = arith.index_cast %add3A_655 : i32 to index
        %get3A_657 = arith.constant 16 : index
        %get3A_658 = tpu.vector_load %arg6[%get3A_656, %get3A_657] {strides = array<i32>} : memref<640x32xf32, #tpu.memory_space<vmem>>, vector<1x16xf32>,
        %get3A_659 = vector.shape_cast %get3A_658 : vector<1x16xf32> to vector<16xf32>
        %add3A_660 = arith.addf %add3A_653, %get3A_659 : vector<16xf32>
        %add3A_661 = arith.constant 3 : i32
        %add3A_662 = arith.addi %add3A_570, %add3A_661 : i32
        %get3A_663 = arith.index_cast %add3A_662 : i32 to index
        %get3A_664 = arith.constant 16 : index
        %get3A_665 = tpu.vector_load %arg6[%get3A_663, %get3A_664] {strides = array<i32>} : memref<640x32xf32, #tpu.memory_space<vmem>>, vector<1x16xf32>,
        %get3A_666 = vector.shape_cast %get3A_665 : vector<1x16xf32> to vector<16xf32>
        %add3A_667 = arith.addf %add3A_660, %get3A_666 : vector<16xf32>
        %add3A_668 = arith.constant 4 : i32
        %add3A_669 = arith.addi %add3A_570, %add3A_668 : i32
        %get3A_670 = arith.index_cast %add3A_669 : i32 to index
        %get3A_671 = arith.constant 16 : index
        %get3A_672 = tpu.vector_load %arg6[%get3A_670, %get3A_671] {strides = array<i32>} : memref<640x32xf32, #tpu.memory_space<vmem>>, vector<1x16xf32>,
        %get3A_673 = vector.shape_cast %get3A_672 : vector<1x16xf32> to vector<16xf32>
        %add3A_674 = arith.addf %add3A_667, %get3A_673 : vector<16xf32>
        %add3A_675 = arith.constant 5 : i32
        %add3A_676 = arith.addi %add3A_570, %add3A_675 : i32
        %get3A_677 = arith.index_cast %add3A_676 : i32 to index
        %get3A_678 = arith.constant 16 : index
        %get3A_679 = tpu.vector_load %arg6[%get3A_677, %get3A_678] {strides = array<i32>} : memref<640x32xf32, #tpu.memory_space<vmem>>, vector<1x16xf32>,
        %get3A_680 = vector.shape_cast %get3A_679 : vector<1x16xf32> to vector<16xf32>
        %add3A_681 = arith.addf %add3A_674, %get3A_680 : vector<16xf32>
        %add3A_682 = arith.constant 6 : i32
        %add3A_683 = arith.addi %add3A_570, %add3A_682 : i32
        %get3A_684 = arith.index_cast %add3A_683 : i32 to index
        %get3A_685 = arith.constant 16 : index
        %get3A_686 = tpu.vector_load %arg6[%get3A_684, %get3A_685] {strides = array<i32>} : memref<640x32xf32, #tpu.memory_space<vmem>>, vector<1x16xf32>,
        %get3A_687 = vector.shape_cast %get3A_686 : vector<1x16xf32> to vector<16xf32>
        %add3A_688 = arith.addf %add3A_681, %get3A_687 : vector<16xf32>
        %add3A_689 = arith.constant 7 : i32
        %add3A_690 = arith.addi %add3A_570, %add3A_689 : i32
        %get3A_691 = arith.index_cast %add3A_690 : i32 to index
        %get3A_692 = arith.constant 16 : index
        %get3A_693 = tpu.vector_load %arg6[%get3A_691, %get3A_692] {strides = array<i32>} : memref<640x32xf32, #tpu.memory_space<vmem>>, vector<1x16xf32>,
        %get3A_694 = vector.shape_cast %get3A_693 : vector<1x16xf32> to vector<16xf32>
        %add3A_695 = arith.addf %add3A_688, %get3A_694 : vector<16xf32>
        %add3A_696 = arith.constant 8 : i32
        %add3A_697 = arith.addi %add3A_570, %add3A_696 : i32
        %get3A_698 = arith.index_cast %add3A_697 : i32 to index
        %get3A_699 = arith.constant 16 : index
        %get3A_700 = tpu.vector_load %arg6[%get3A_698, %get3A_699] {strides = array<i32>} : memref<640x32xf32, #tpu.memory_space<vmem>>, vector<1x16xf32>,
        %get3A_701 = vector.shape_cast %get3A_700 : vector<1x16xf32> to vector<16xf32>
        %add3A_702 = arith.addf %add3A_695, %get3A_701 : vector<16xf32>
        %add3A_703 = arith.constant 9 : i32
        %add3A_704 = arith.addi %add3A_570, %add3A_703 : i32
        %get3A_705 = arith.index_cast %add3A_704 : i32 to index
        %get3A_706 = arith.constant 16 : index
        %get3A_707 = tpu.vector_load %arg6[%get3A_705, %get3A_706] {strides = array<i32>} : memref<640x32xf32, #tpu.memory_space<vmem>>, vector<1x16xf32>,
        %get3A_708 = vector.shape_cast %get3A_707 : vector<1x16xf32> to vector<16xf32>
        %add3A_709 = arith.addf %add3A_702, %get3A_708 : vector<16xf32>
        %swap3A_710 = arith.index_cast %scan3A_128 : i32 to index
        %swap3A_711 = arith.constant 112 : index
        %swap3A_712 = tpu.vector_load %arg7[%swap3A_710, %swap3A_711] {strides = array<i32>} : memref<16x128xf32, #tpu.memory_space<vmem>>, vector<1x16xf32>,
        %swap3A_713 = vector.shape_cast %swap3A_712 : vector<1x16xf32> to vector<16xf32>
        %swap3A_714 = vector.shape_cast %add3A_709 : vector<16xf32> to vector<1x16xf32>
        tpu.vector_store %arg7[%swap3A_710, %swap3A_711], %swap3A_714 {strides = array<i32>} : memref<16x128xf32, #tpu.memory_space<vmem>>, vector<1x16xf32>,
      }
      %scan3A_122 = arith.constant 16 : i32
      %mul3A_123 = arith.constant 128 : i32
      %mul3A_124 = arith.muli %add3A, %mul3A_123 : i32
      %mul3A_125 = arith.constant 16 : i32
      %mul3A_126 = arith.muli %scan3A_8, %mul3A_125 : i32
      %add3A_127 = arith.addi %mul3A_124, %mul3A_126 : i32
      "tpu.region"() ({
        %run_scoped3A = tpu.sem_alloc : memref<!tpu.dma_semaphore, #tpu.memory_space<semaphore_mem>>
        %dma_start3A_128 = arith.constant 0 : i32
        %dma_start3A_129 = tpu.memref_slice %arg4[%add3A_127, %dma_start3A_128] : memref<4096x128xf32, #tpu.memory_space<hbm>> -> memref<16x128xf32, #tpu.memory_space<hbm>>
        %dma_start3A_130 = arith.constant 0 : i32
        %dma_start3A_131 = tpu.memref_slice %arg4[%add3A_127, %dma_start3A_130] : memref<4096x128xf32, #tpu.memory_space<hbm>> -> memref<16x128xf32, #tpu.memory_space<hbm>>
        tpu.enqueue_dma source(%arg7 : memref<16x128xf32, #tpu.memory_space<vmem>>) target(%dma_start3A_131 : memref<16x128xf32, #tpu.memory_space<hbm>>) target_semaphore(%run_scoped3A : memref<!tpu.dma_semaphore, #tpu.memory_space<semaphore_mem>>)
        %dma_wait3A_132 = arith.constant 0 : i32
        %dma_wait3A_133 = tpu.memref_slice %arg4[%add3A_127, %dma_wait3A_132] : memref<4096x128xf32, #tpu.memory_space<hbm>> -> memref<16x128xf32, #tpu.memory_space<hbm>>
        %dma_wait3A_134 = arith.constant 0 : i32
        %dma_wait3A_135 = tpu.memref_slice %arg4[%add3A_127, %dma_wait3A_134] : memref<4096x128xf32, #tpu.memory_space<hbm>> -> memref<16x128xf32, #tpu.memory_space<hbm>>
        tpu.wait_dma2 semaphore(%run_scoped3A : memref<!tpu.dma_semaphore, #tpu.memory_space<semaphore_mem>>) src(%arg7 : memref<16x128xf32, #tpu.memory_space<vmem>>) dst(%dma_wait3A_135 : memref<16x128xf32, #tpu.memory_space<hbm>>)
        tpu.yield
      }) : () -> ()
    }
    %scan3A_7 = arith.constant 8 : i32
    return
  }
}

module attributes {stable_mosaic.version = 14 : i64} {
  func.func @_dense_body(%arg0: i32, %arg1: memref<1x1x1024xi32, #tpu.memory_space<vmem>>, %arg2: memref<1024x128xf32, #tpu.memory_space<vmem>>, %arg3: memref<1024x128xf32, #tpu.memory_space<vmem>>, %arg4: memref<128x16xf32, #tpu.memory_space<vmem>>, %arg5: memref<8x16xf32, #tpu.memory_space<vmem>>, %arg6: memref<128x128xf32, #tpu.memory_space<vmem>>, %arg7: memref<1024x128xf32, #tpu.memory_space<vmem>>) attributes {dimension_semantics = [#tpu.dimension_semantics<arbitrary>], iteration_bounds = array<i64: 4>, scalar_prefetch = 0 : i64, scratch_operands = 0 : i64, tpu.core_type = #tpu.core_type<tc>, window_params = [{transform_indices = @transform_0, window_bounds = array<i64: 1, 1, 1024>}, {transform_indices = @transform_1, window_bounds = array<i64: 1024, 128>}, {transform_indices = @transform_2, window_bounds = array<i64: 1024, 128>}, {pipeline_mode = #tpu.pipeline_mode<synchronous>, transform_indices = @transform_3, window_bounds = array<i64: 128, 16>}, {pipeline_mode = #tpu.pipeline_mode<synchronous>, transform_indices = @transform_4, window_bounds = array<i64: 8, 16>}, {pipeline_mode = #tpu.pipeline_mode<synchronous>, transform_indices = @transform_5, window_bounds = array<i64: 128, 128>}, {transform_indices = @transform_6, window_bounds = array<i64: 1024, 128>}]} {
    %get3A = arith.constant 0 : index
    %get3A_0 = arith.constant 0 : index
    %get3A_1 = arith.constant 0 : index
    %get3A_2 = vector.load %arg1[%get3A, %get3A_0, %get3A_1] : memref<1x1x1024xi32, #tpu.memory_space<vmem>>, vector<1x1x1024xi32>
    %get3A_3 = vector.shape_cast %get3A_2 : vector<1x1x1024xi32> to vector<1024xi32>
    %get3A_4 = arith.constant 0 : index
    %get3A_5 = arith.constant 0 : index
    %get3A_6 = vector.load %arg3[%get3A_4, %get3A_5] : memref<1024x128xf32, #tpu.memory_space<vmem>>, vector<1024x128xf32>
    %iota3A = tpu.iota {dimensions = array<i32: 1>} : vector<1024x128xi32>
    %jit3A = arith.constant 32 : i32
    %div3A = vector.broadcast %jit3A : i32 to vector<1024x128xi32>
    %div3A_7 = arith.divsi %iota3A, %div3A : vector<1024x128xi32>
    %sign3A = arith.constant 0 : i32
    %sign3A_8 = vector.broadcast %sign3A : i32 to vector<1024x128xi32>
    %sign3A_9 = arith.cmpi sgt, %iota3A, %sign3A_8 : vector<1024x128xi32>
    %sign3A_10 = arith.extui %sign3A_9 : vector<1024x128xi1> to vector<1024x128xi32>
    %sign3A_11 = arith.constant 0 : i32
    %sign3A_12 = vector.broadcast %sign3A_11 : i32 to vector<1024x128xi32>
    %sign3A_13 = arith.cmpi slt, %iota3A, %sign3A_12 : vector<1024x128xi32>
    %sign3A_14 = arith.extui %sign3A_13 : vector<1024x128xi1> to vector<1024x128xi32>
    %sign3A_15 = arith.subi %sign3A_10, %sign3A_14 : vector<1024x128xi32>
    %sign3A_16 = arith.constant 0 : i32
    %sign3A_17 = arith.cmpi sgt, %jit3A, %sign3A_16 : i32
    %sign3A_18 = arith.extui %sign3A_17 : i1 to i32
    %sign3A_19 = arith.constant 0 : i32
    %sign3A_20 = arith.cmpi slt, %jit3A, %sign3A_19 : i32
    %sign3A_21 = arith.extui %sign3A_20 : i1 to i32
    %sign3A_22 = arith.subi %sign3A_18, %sign3A_21 : i32
    %ne3A = vector.broadcast %sign3A_22 : i32 to vector<1024x128xi32>
    %ne3A_23 = arith.cmpi ne, %sign3A_15, %ne3A : vector<1024x128xi32>
    %rem3A = vector.broadcast %jit3A : i32 to vector<1024x128xi32>
    %rem3A_24 = arith.remsi %iota3A, %rem3A : vector<1024x128xi32>
    %ne3A_25 = arith.constant 0 : i32
    %ne3A_26 = vector.broadcast %ne3A_25 : i32 to vector<1024x128xi32>
    %ne3A_27 = arith.cmpi ne, %rem3A_24, %ne3A_26 : vector<1024x128xi32>
    %and3A = arith.andi %ne3A_23, %ne3A_27 : vector<1024x128xi1>
    %sub3A = arith.constant 1 : i32
    %sub3A_28 = vector.broadcast %sub3A : i32 to vector<1024x128xi32>
    %sub3A_29 = arith.subi %div3A_7, %sub3A_28 : vector<1024x128xi32>
    %select_n3A = arith.select %and3A, %sub3A_29, %div3A_7 : vector<1024x128xi1>, vector<1024x128xi32>
    %broadcast_in_dim3A = vector.shape_cast %get3A_3 : vector<1024xi32> to vector<1024x1xi32>
    %eq3A = vector.broadcast %broadcast_in_dim3A : vector<1024x1xi32> to vector<1024x128xi32>
    %eq3A_30 = arith.cmpi eq, %eq3A, %select_n3A : vector<1024x128xi32>
    %convert_element_type3A = arith.extui %eq3A_30 : vector<1024x128xi1> to vector<1024x128xi32>
    %convert_element_type3A_31 = arith.sitofp %convert_element_type3A : vector<1024x128xi32> to vector<1024x128xf32>
    %broadcast_in_dim3A_32 = vector.shape_cast %get3A_3 : vector<1024xi32> to vector<1024x1xi32>
    %iota3A_33 = tpu.iota {dimensions = array<i32: 1>} : vector<1024x8xi32>
    %eq3A_34 = vector.broadcast %broadcast_in_dim3A_32 : vector<1024x1xi32> to vector<1024x8xi32>
    %eq3A_35 = arith.cmpi eq, %eq3A_34, %iota3A_33 : vector<1024x8xi32>
    %convert_element_type3A_36 = arith.extui %eq3A_35 : vector<1024x8xi1> to vector<1024x8xi32>
    %convert_element_type3A_37 = arith.sitofp %convert_element_type3A_36 : vector<1024x8xi32> to vector<1024x8xf32>
    %get3A_38 = arith.constant 0 : index
    %get3A_39 = arith.constant 0 : index
    %get3A_40 = vector.load %arg5[%get3A_38, %get3A_39] : memref<8x16xf32, #tpu.memory_space<vmem>>, vector<8x16xf32>
    %dot_general3A = arith.constant dense<0.000000e+00> : vector<1024x16xf32>
    %dot_general3A_41 = tpu.matmul %convert_element_type3A_37, %get3A_40, %dot_general3A {dimension_numbers = #tpu.dot_dimension_numbers<[1], [0], [0], [1], [0, 0, 1, 1], [], []>, transpose_lhs_hint = false} : vector<1024x8xf32>, vector<8x16xf32>, vector<1024x16xf32> -> vector<1024x16xf32>
    %get3A_42 = arith.constant 0 : index
    %get3A_43 = arith.constant 0 : index
    %get3A_44 = vector.load %arg4[%get3A_42, %get3A_43] : memref<128x16xf32, #tpu.memory_space<vmem>>, vector<128x16xf32>
    %slice3A = vector.extract_strided_slice %get3A_6 {offsets = [0, 0], sizes = [1024, 32], strides = [1, 1]} : vector<1024x128xf32> to vector<1024x32xf32>
    %concatenate3A = tpu.concatenate %slice3A, %slice3A, %slice3A, %slice3A in 1 : vector<1024x32xf32>, vector<1024x32xf32>, vector<1024x32xf32>, vector<1024x32xf32> -> vector<1024x128xf32>
    %mul3A = arith.mulf %concatenate3A, %convert_element_type3A_31 : vector<1024x128xf32>
    %dot_general3A_45 = arith.constant dense<0.000000e+00> : vector<1024x16xf32>
    %dot_general3A_46 = tpu.matmul %mul3A, %get3A_44, %dot_general3A_45 {dimension_numbers = #tpu.dot_dimension_numbers<[1], [0], [0], [1], [0, 0, 1, 1], [], []>, transpose_lhs_hint = false} : vector<1024x128xf32>, vector<128x16xf32>, vector<1024x16xf32> -> vector<1024x16xf32>
    %tanh3A = math.tanh %dot_general3A_46 : vector<1024x16xf32>
    %mul3A_47 = arith.mulf %tanh3A, %dot_general3A_41 : vector<1024x16xf32>
    %reduce_sum3A = arith.constant dense<0.000000e+00> : vector<1024xf32>
    %reduce_sum3A_48 = vector.multi_reduction <add>, %mul3A_47, %reduce_sum3A [1] : vector<1024x16xf32> to vector<1024xf32>
    %broadcast_in_dim3A_49 = vector.shape_cast %reduce_sum3A_48 : vector<1024xf32> to vector<1024x1xf32>
    %slice3A_50 = vector.extract_strided_slice %get3A_6 {offsets = [0, 32], sizes = [1024, 32], strides = [1, 1]} : vector<1024x128xf32> to vector<1024x32xf32>
    %concatenate3A_51 = tpu.concatenate %slice3A_50, %slice3A_50, %slice3A_50, %slice3A_50 in 1 : vector<1024x32xf32>, vector<1024x32xf32>, vector<1024x32xf32>, vector<1024x32xf32> -> vector<1024x128xf32>
    %mul3A_52 = arith.mulf %concatenate3A_51, %convert_element_type3A_31 : vector<1024x128xf32>
    %dot_general3A_53 = arith.constant dense<0.000000e+00> : vector<1024x16xf32>
    %dot_general3A_54 = tpu.matmul %mul3A_52, %get3A_44, %dot_general3A_53 {dimension_numbers = #tpu.dot_dimension_numbers<[1], [0], [0], [1], [0, 0, 1, 1], [], []>, transpose_lhs_hint = false} : vector<1024x128xf32>, vector<128x16xf32>, vector<1024x16xf32> -> vector<1024x16xf32>
    %tanh3A_55 = math.tanh %dot_general3A_54 : vector<1024x16xf32>
    %mul3A_56 = arith.mulf %tanh3A_55, %dot_general3A_41 : vector<1024x16xf32>
    %reduce_sum3A_57 = arith.constant dense<0.000000e+00> : vector<1024xf32>
    %reduce_sum3A_58 = vector.multi_reduction <add>, %mul3A_56, %reduce_sum3A_57 [1] : vector<1024x16xf32> to vector<1024xf32>
    %broadcast_in_dim3A_59 = vector.shape_cast %reduce_sum3A_58 : vector<1024xf32> to vector<1024x1xf32>
    %slice3A_60 = vector.extract_strided_slice %get3A_6 {offsets = [0, 64], sizes = [1024, 32], strides = [1, 1]} : vector<1024x128xf32> to vector<1024x32xf32>
    %concatenate3A_61 = tpu.concatenate %slice3A_60, %slice3A_60, %slice3A_60, %slice3A_60 in 1 : vector<1024x32xf32>, vector<1024x32xf32>, vector<1024x32xf32>, vector<1024x32xf32> -> vector<1024x128xf32>
    %mul3A_62 = arith.mulf %concatenate3A_61, %convert_element_type3A_31 : vector<1024x128xf32>
    %dot_general3A_63 = arith.constant dense<0.000000e+00> : vector<1024x16xf32>
    %dot_general3A_64 = tpu.matmul %mul3A_62, %get3A_44, %dot_general3A_63 {dimension_numbers = #tpu.dot_dimension_numbers<[1], [0], [0], [1], [0, 0, 1, 1], [], []>, transpose_lhs_hint = false} : vector<1024x128xf32>, vector<128x16xf32>, vector<1024x16xf32> -> vector<1024x16xf32>
    %tanh3A_65 = math.tanh %dot_general3A_64 : vector<1024x16xf32>
    %mul3A_66 = arith.mulf %tanh3A_65, %dot_general3A_41 : vector<1024x16xf32>
    %reduce_sum3A_67 = arith.constant dense<0.000000e+00> : vector<1024xf32>
    %reduce_sum3A_68 = vector.multi_reduction <add>, %mul3A_66, %reduce_sum3A_67 [1] : vector<1024x16xf32> to vector<1024xf32>
    %broadcast_in_dim3A_69 = vector.shape_cast %reduce_sum3A_68 : vector<1024xf32> to vector<1024x1xf32>
    %slice3A_70 = vector.extract_strided_slice %get3A_6 {offsets = [0, 96], sizes = [1024, 32], strides = [1, 1]} : vector<1024x128xf32> to vector<1024x32xf32>
    %concatenate3A_71 = tpu.concatenate %slice3A_70, %slice3A_70, %slice3A_70, %slice3A_70 in 1 : vector<1024x32xf32>, vector<1024x32xf32>, vector<1024x32xf32>, vector<1024x32xf32> -> vector<1024x128xf32>
    %mul3A_72 = arith.mulf %concatenate3A_71, %convert_element_type3A_31 : vector<1024x128xf32>
    %dot_general3A_73 = arith.constant dense<0.000000e+00> : vector<1024x16xf32>
    %dot_general3A_74 = tpu.matmul %mul3A_72, %get3A_44, %dot_general3A_73 {dimension_numbers = #tpu.dot_dimension_numbers<[1], [0], [0], [1], [0, 0, 1, 1], [], []>, transpose_lhs_hint = false} : vector<1024x128xf32>, vector<128x16xf32>, vector<1024x16xf32> -> vector<1024x16xf32>
    %tanh3A_75 = math.tanh %dot_general3A_74 : vector<1024x16xf32>
    %mul3A_76 = arith.mulf %tanh3A_75, %dot_general3A_41 : vector<1024x16xf32>
    %reduce_sum3A_77 = arith.constant dense<0.000000e+00> : vector<1024xf32>
    %reduce_sum3A_78 = vector.multi_reduction <add>, %mul3A_76, %reduce_sum3A_77 [1] : vector<1024x16xf32> to vector<1024xf32>
    %broadcast_in_dim3A_79 = vector.shape_cast %reduce_sum3A_78 : vector<1024xf32> to vector<1024x1xf32>
    %concatenate3A_80 = tpu.concatenate %broadcast_in_dim3A_49, %broadcast_in_dim3A_59, %broadcast_in_dim3A_69, %broadcast_in_dim3A_79 in 1 : vector<1024x1xf32>, vector<1024x1xf32>, vector<1024x1xf32>, vector<1024x1xf32> -> vector<1024x4xf32>
    %reduce_max3A = arith.constant dense<0xFF800000> : vector<1024xf32>
    %reduce_max3A_81 = vector.multi_reduction <maximumf>, %concatenate3A_80, %reduce_max3A [1] : vector<1024x4xf32> to vector<1024xf32>
    %broadcast_in_dim3A_82 = vector.shape_cast %reduce_max3A_81 : vector<1024xf32> to vector<1024x1xf32>
    %sub3A_83 = vector.broadcast %broadcast_in_dim3A_82 : vector<1024x1xf32> to vector<1024x4xf32>
    %sub3A_84 = arith.subf %concatenate3A_80, %sub3A_83 : vector<1024x4xf32>
    %exp3A = math.exp %sub3A_84 : vector<1024x4xf32>
    %reduce_sum3A_85 = arith.constant dense<0.000000e+00> : vector<1024xf32>
    %reduce_sum3A_86 = vector.multi_reduction <add>, %exp3A, %reduce_sum3A_85 [1] : vector<1024x4xf32> to vector<1024xf32>
    %broadcast_in_dim3A_87 = vector.shape_cast %reduce_sum3A_86 : vector<1024xf32> to vector<1024x1xf32>
    %div3A_88 = vector.broadcast %broadcast_in_dim3A_87 : vector<1024x1xf32> to vector<1024x4xf32>
    %div3A_89 = arith.divf %exp3A, %div3A_88 : vector<1024x4xf32>
    %slice3A_90 = vector.extract_strided_slice %div3A_89 {offsets = [0, 0], sizes = [1024, 1], strides = [1, 1]} : vector<1024x4xf32> to vector<1024x1xf32>
    %slice3A_91 = vector.extract_strided_slice %get3A_6 {offsets = [0, 0], sizes = [1024, 32], strides = [1, 1]} : vector<1024x128xf32> to vector<1024x32xf32>
    %mul3A_92 = vector.broadcast %slice3A_90 : vector<1024x1xf32> to vector<1024x32xf32>
    %mul3A_93 = arith.mulf %mul3A_92, %slice3A_91 : vector<1024x32xf32>
    %slice3A_94 = vector.extract_strided_slice %div3A_89 {offsets = [0, 1], sizes = [1024, 1], strides = [1, 1]} : vector<1024x4xf32> to vector<1024x1xf32>
    %slice3A_95 = vector.extract_strided_slice %get3A_6 {offsets = [0, 32], sizes = [1024, 32], strides = [1, 1]} : vector<1024x128xf32> to vector<1024x32xf32>
    %mul3A_96 = vector.broadcast %slice3A_94 : vector<1024x1xf32> to vector<1024x32xf32>
    %mul3A_97 = arith.mulf %mul3A_96, %slice3A_95 : vector<1024x32xf32>
    %add3A = arith.addf %mul3A_93, %mul3A_97 : vector<1024x32xf32>
    %slice3A_98 = vector.extract_strided_slice %div3A_89 {offsets = [0, 2], sizes = [1024, 1], strides = [1, 1]} : vector<1024x4xf32> to vector<1024x1xf32>
    %slice3A_99 = vector.extract_strided_slice %get3A_6 {offsets = [0, 64], sizes = [1024, 32], strides = [1, 1]} : vector<1024x128xf32> to vector<1024x32xf32>
    %mul3A_100 = vector.broadcast %slice3A_98 : vector<1024x1xf32> to vector<1024x32xf32>
    %mul3A_101 = arith.mulf %mul3A_100, %slice3A_99 : vector<1024x32xf32>
    %add3A_102 = arith.addf %add3A, %mul3A_101 : vector<1024x32xf32>
    %slice3A_103 = vector.extract_strided_slice %div3A_89 {offsets = [0, 3], sizes = [1024, 1], strides = [1, 1]} : vector<1024x4xf32> to vector<1024x1xf32>
    %slice3A_104 = vector.extract_strided_slice %get3A_6 {offsets = [0, 96], sizes = [1024, 32], strides = [1, 1]} : vector<1024x128xf32> to vector<1024x32xf32>
    %mul3A_105 = vector.broadcast %slice3A_103 : vector<1024x1xf32> to vector<1024x32xf32>
    %mul3A_106 = arith.mulf %mul3A_105, %slice3A_104 : vector<1024x32xf32>
    %add3A_107 = arith.addf %add3A_102, %mul3A_106 : vector<1024x32xf32>
    %concatenate3A_108 = tpu.concatenate %add3A_107, %add3A_107, %add3A_107, %add3A_107 in 1 : vector<1024x32xf32>, vector<1024x32xf32>, vector<1024x32xf32>, vector<1024x32xf32> -> vector<1024x128xf32>
    %mul3A_109 = arith.mulf %concatenate3A_108, %convert_element_type3A_31 : vector<1024x128xf32>
    %get3A_110 = arith.constant 0 : index
    %get3A_111 = arith.constant 0 : index
    %get3A_112 = vector.load %arg2[%get3A_110, %get3A_111] : memref<1024x128xf32, #tpu.memory_space<vmem>>, vector<1024x128xf32>
    %get3A_113 = arith.constant 0 : index
    %get3A_114 = arith.constant 0 : index
    %get3A_115 = vector.load %arg6[%get3A_113, %get3A_114] : memref<128x128xf32, #tpu.memory_space<vmem>>, vector<128x128xf32>
    %dot_general3A_116 = arith.constant dense<0.000000e+00> : vector<1024x128xf32>
    %dot_general3A_117 = tpu.matmul %mul3A_109, %get3A_115, %dot_general3A_116 {dimension_numbers = #tpu.dot_dimension_numbers<[1], [0], [0], [1], [0, 0, 1, 1], [], []>, transpose_lhs_hint = false} : vector<1024x128xf32>, vector<128x128xf32>, vector<1024x128xf32> -> vector<1024x128xf32>
    %add3A_118 = arith.addf %get3A_112, %dot_general3A_117 : vector<1024x128xf32>
    %mul3A_119 = arith.mulf %add3A_118, %add3A_118 : vector<1024x128xf32>
    %reduce_sum3A_120 = arith.constant dense<0.000000e+00> : vector<1024xf32>
    %reduce_sum3A_121 = vector.multi_reduction <add>, %mul3A_119, %reduce_sum3A_120 [1] : vector<1024x128xf32> to vector<1024xf32>
    %broadcast_in_dim3A_122 = vector.shape_cast %reduce_sum3A_121 : vector<1024xf32> to vector<1024x1xf32>
    %sqrt3A = math.sqrt %broadcast_in_dim3A_122 : vector<1024x1xf32>
    %max3A = arith.constant 9.99999996E-13 : f32
    %max3A_123 = vector.broadcast %max3A : f32 to vector<1024x1xf32>
    %max3A_124 = arith.maximumf %sqrt3A, %max3A_123 : vector<1024x1xf32>
    %div3A_125 = vector.broadcast %max3A_124 : vector<1024x1xf32> to vector<1024x128xf32>
    %div3A_126 = arith.divf %add3A_118, %div3A_125 : vector<1024x128xf32>
    %swap3A = arith.constant 0 : index
    %swap3A_127 = arith.constant 0 : index
    %swap3A_128 = vector.load %arg7[%swap3A, %swap3A_127] : memref<1024x128xf32, #tpu.memory_space<vmem>>, vector<1024x128xf32>
    tpu.vector_store %arg7[%swap3A, %swap3A_127], %div3A_126 {strides = array<i32>} : memref<1024x128xf32, #tpu.memory_space<vmem>>, vector<1024x128xf32>,
    return
  }
  func.func @transform_0(%arg0: i32) -> (i32, i32, i32) {
    %c0_i32 = arith.constant 0 : i32
    %c0_i32_0 = arith.constant 0 : i32
    %c0_i32_1 = arith.constant 0 : i32
    return %arg0, %c0_i32, %c0_i32_0 : i32, i32, i32
  }
  func.func @transform_1(%arg0: i32) -> (i32, i32) {
    %c0_i32 = arith.constant 0 : i32
    %c0_i32_0 = arith.constant 0 : i32
    return %arg0, %c0_i32 : i32, i32
  }
  func.func @transform_2(%arg0: i32) -> (i32, i32) {
    %c0_i32 = arith.constant 0 : i32
    %c0_i32_0 = arith.constant 0 : i32
    return %arg0, %c0_i32 : i32, i32
  }
  func.func @transform_3(%arg0: i32) -> (i32, i32) {
    %c0_i32 = arith.constant 0 : i32
    %c0_i32_0 = arith.constant 0 : i32
    %c0_i32_1 = arith.constant 0 : i32
    return %c0_i32, %c0_i32_0 : i32, i32
  }
  func.func @transform_4(%arg0: i32) -> (i32, i32) {
    %c0_i32 = arith.constant 0 : i32
    %c0_i32_0 = arith.constant 0 : i32
    %c0_i32_1 = arith.constant 0 : i32
    return %c0_i32, %c0_i32_0 : i32, i32
  }
  func.func @transform_5(%arg0: i32) -> (i32, i32) {
    %c0_i32 = arith.constant 0 : i32
    %c0_i32_0 = arith.constant 0 : i32
    %c0_i32_1 = arith.constant 0 : i32
    return %c0_i32, %c0_i32_0 : i32, i32
  }
  func.func @transform_6(%arg0: i32) -> (i32, i32) {
    %c0_i32 = arith.constant 0 : i32
    %c0_i32_0 = arith.constant 0 : i32
    return %arg0, %c0_i32 : i32, i32
  }
}

</mosaic_0001>

<sc_bundles>
// kernel: kernel.5.cloned.1.call-start
scs
__scs_entry_jumppad:
0x0: {  	(pc) =	sbr.rel $0x88, $3  }
0x1: {  	(tag) =	ssettag $0x0;
	lr =	simm.s32 $0x1  }
0x2: {  	[smem:$0x3F99] =	sst lr;
	_ =	strace $0xD0000000  }
0x3: {  	_ = 	snop  }
0x4: {  	_ = 	snop  }
0x5: {  	_ = 	snop  }
0x6: {  	_ = 	snop  }
0x7: {  	_ = 	snop  }
__scs_overlays_trampoline_lowered:
0x8: {  	[smem:$0x3FA8] =	sst s0  }
0x9: {  	[smem:$0x3FA9] =	sst s1  }
0xa: {  	[smem:$0x3FAA] =	sst s2  }
0xb: {  	[smem:$0x3FAB] =	sst s3  }
0xc: {  	[smem:$0x3FAC] =	sst s4  }
0xd: {  	[smem:$0x3FAD] =	sst s5  }
0xe: {  	[smem:$0x3FAE] =	sst s6  }
0xf: {  	[smem:$0x3FAF] =	sst s7  }
0x10: {  	[smem:$0x3FB0] =	sst s8  }
0x11: {  	[smem:$0x3FB1] =	sst s9;
	s0 =	simm.s32 @!p0 $0x0  }
0x12: {  	s1 =	sld [smem:$0x3F97];
	s0 =	simm.s32 @p0 $0x1  }
0x13: {  	[smem:$0x3FB2] =	sst s0;
	s0 =	simm.s32 @!p1 $0x0  }
0x14: {  	s2 =	sld [smem:$0x3F96];
	s0 =	simm.s32 @p1 $0x1  }
0x15: {  	[smem:$0x3FB3] =	sst s0;
	s0 =	simm.s32 @!p2 $0x0  }
0x16: {  	s3 =	sld [smem:$0x3FDB];
	s0 =	simm.s32 @p2 $0x1  }
0x17: {  	s4 =	simm.s32 $0x1BF5;
	[smem:$0x3FB5] =	sst s0  }
0x18: {  	s0 =	sld [smem:$0x3F98];
	_ =	swait.ge [sflag:s4], $0x0  }
0x19: {  	s7 =	sld [smem:$0x3F99]  }
0x1a: {  	s8 =	sadd.s32 $0xFFFFE003, lr  }
0x1b: {  	s9 =	sadd.s32 $0xFFFFFEF7, lr;
	s5 =	simm.s32 $0xFFFFFFFF;
	p2 =	slt.u32 s8, $0xFFFFF086  }
0x1c: {  	p1 =	slt.u32 s9, $0xF7A;
	s5 =	simm.s32 @!p2 $0x0  }
0x1d: {  	s5 =	simm.s32 @p1 $0x1;
	p0 =	seq.s32 s7, s2  }
0x1e: {  	s7 =	smul.u32 @!p0 $0xF7A, s2;
	p2 =	seq.s32 @!p0 s5, $0x0  }
0x1f: {  	s9 =	smul.u32 $0xF7A, s1;
	s8 =	simm.s32 @!p0 $0x1BF5;
	p2 =	por !p2, p0  }
0x20: {  	[sflag:s8] =	ssyncset.s32 @!p0 $0xFFFFF086;
	s6 =	sadd.s32 @!p0 s3, s7;
	s7 =	simm.s32 @!p0 $0x108  }
0x21: {  	s3 =	sadd.s32 s3, s9;
	s6 =	sadd.s32 @!p0 $0x88, s6;
	s7 =	simm.s32 @p2 $0x1082  }
0x22: {  	[simem:s7], [sflag:s8] =	dma.local @!p0 [hbm:s6], $0xF7A  }
0x23: {  	s9 =	sor.u32 $0xD0000000, s2;
	s6 =	simm.s32 $0x108;
	_ =	swait.ge @!p0 [sflag:s8], $0x0  }
0x24: {  	s3 =	sadd.s32 $0x88, s3;
	s6 =	simm.s32 @!p1 $0x1082;
	[sflag:s4] =	ssyncset.s32 $0xFFFFF086  }
0x25: {  	[simem:s6], [sflag:s4] =	dma.local [hbm:s3], $0xF7A  }
0x26: {  	[smem:$0x3F99] =	sst s1;
	(tag) =	ssettag s2;
	_ =	strace s9  }
0x27: {  	s1 =	sld [smem:$0x3FA9]  }
0x28: {  	s2 =	sld [smem:$0x3FAA]  }
0x29: {  	s4 =	sld [smem:$0x3FAC]  }
0x2a: {  	p0 =	seq.s32 s5, $0x0;
	s5 =	sld [smem:$0x3FAD]  }
0x2b: {  	s6 =	sld [smem:$0x3FAE]  }
0x2c: {  	s7 =	sld [smem:$0x3FAF]  }
0x2d: {  	s3 =	simm.s32 $0x108;
	s8 =	sld [smem:$0x3FB0]  }
0x2e: {  	s3 =	simm.s32 @!p0 $0x1082;
	s9 =	sld [smem:$0x3FB1]  }
0x2f: {  	lr =	sadd.s32 s0, s3;
	s0 =	sld [smem:$0x3FA8]  }
0x30: {  	s3 =	sld [smem:$0x3FAB]  }
0x31: {  	[smem:$0x3FB4] =	sst s10  }
0x32: {  	s10 =	sld [smem:$0x3FB2];
	_ =	sdelay $0x3  }
0x33: {  	p0 =	seq.s32 s10, $0x1;
	s10 =	sld [smem:$0x3FB4];
	_ =	sdelay $0x3  }
0x34: {  	[smem:$0x3FB4] =	sst s10  }
0x35: {  	s10 =	sld [smem:$0x3FB3];
	_ =	sdelay $0x3  }
0x36: {  	p1 =	seq.s32 s10, $0x1;
	s10 =	sld [smem:$0x3FB4];
	_ =	sdelay $0x3  }
0x37: {  	[smem:$0x3FB4] =	sst s10  }
0x38: {  	s10 =	sld [smem:$0x3FB5]  }
0x39: {  	_ = 	snop;
	(pc) =	sbr.ind lr, $3  }
0x3a: {  	_ = 	snop  }
0x3b: {  	_ = 	snop  }
0x3c: {  	p2 =	seq.s32 s10, $0x1;
	s10 =	sld [smem:$0x3FB4]  }
0x3d: {  	_ =	shalt  }
0x3e: {  	_ =	shalt  }
0x3f: {  	_ =	shalt  }
0x40: {  	_ =	shalt  }
0x41: {  	_ =	shalt  }
0x42: {  	_ =	shalt  }
0x43: {  	_ =	shalt  }
0x44: {  	_ =	shalt  }
0x45: {  	_ =	shalt  }
0x46: {  	_ =	shalt  }
0x47: {  	_ =	shalt  }
0x48: {  	_ =	shalt  }
0x49: {  	_ =	shalt  }
0x4a: {  	_ =	shalt  }
0x4b: {  	_ =	shalt  }
0x4c: {  	_ =	shalt  }
0x4d: {  	_ =	shalt  }
0x4e: {  	_ =	shalt  }
0x4f: {  	_ =	shalt  }
0x50: {  	_ =	shalt  }
0x51: {  	_ =	shalt  }
0x52: {  	_ =	shalt  }
0x53: {  	_ =	shalt  }
0x54: {  	_ =	shalt  }
0x55: {  	_ =	shalt  }
0x56: {  	_ =	shalt  }
0x57: {  	_ =	shalt  }
0x58: {  	_ =	shalt  }
0x59: {  	_ =	shalt  }
0x5a: {  	_ =	shalt  }
0x5b: {  	_ =	shalt  }
0x5c: {  	_ =	shalt  }
0x5d: {  	_ =	shalt  }
0x5e: {  	_ =	shalt  }
0x5f: {  	_ =	shalt  }
0x60: {  	_ =	shalt  }
0x61: {  	_ =	shalt  }
0x62: {  	_ =	shalt  }
0x63: {  	_ =	shalt  }
0x64: {  	_ =	shalt  }
0x65: {  	_ =	shalt  }
0x66: {  	_ =	shalt  }
0x67: {  	_ =	shalt  }
0x68: {  	_ =	shalt  }
0x69: {  	_ =	shalt  }
0x6a: {  	_ =	shalt  }
0x6b: {  	_ =	shalt  }
0x6c: {  	_ =	shalt  }
0x6d: {  	_ =	shalt  }
0x6e: {  	_ =	shalt  }
0x6f: {  	_ =	shalt  }
0x70: {  	_ =	shalt  }
0x71: {  	_ =	shalt  }
0x72: {  	_ =	shalt  }
0x73: {  	_ =	shalt  }
0x74: {  	_ =	shalt  }
0x75: {  	_ =	shalt  }
0x76: {  	_ =	shalt  }
0x77: {  	_ =	shalt  }
0x78: {  	_ =	shalt  }
0x79: {  	_ =	shalt  }
0x7a: {  	_ =	shalt  }
0x7b: {  	_ =	shalt  }
0x7c: {  	_ =	shalt  }
0x7d: {  	_ =	shalt  }
0x7e: {  	_ =	shalt  }
0x7f: {  	_ =	shalt  }
0x80: {  	_ =	shalt  }
0x81: {  	_ =	shalt  }
0x82: {  	_ =	shalt  }
0x83: {  	_ =	shalt  }
0x84: {  	_ =	shalt  }
0x85: {  	_ =	shalt  }
0x86: {  	_ =	shalt  }
0x87: {  	_ =	shalt  }
.Lfunc_end0:
.L_simem_size_0:
called_computation_lowered:
.L_overlay_start_0:
0x88: {  	s2 =	sld [smem:$0x3FD9]  }
0x89: {  	s3 =	sld [smem:$0x3FFE];
	_ =	sdelay $0x1  }
0x8a: {  	s1 =	srdreg.scid  }
0x8b: {  	s0 =	sand.u32 $0x1, s1  }
0x8c: {  	s18 =	sshll.u32 s0, $0xA;
	s2 =	sadd.s32 s3, s2  }
0x8d: {  	s2 =	sadd.s32 s2, s18  }
0x8e: {  	[smem:$0x3FC0] =	sst s2  }
0x8f: {  	_ = 	snop  }
0x90: {  	s19 =	sld [smem:$0x3FC9]  }
0x91: {  	s4 =	sld [smem:$0x3FC4]  }
0x92: {  	s5 =	sld [smem:$0x3FD0];
	(tm) =	ssettm $0x1  }
0x93: {  	s20 =	sld [smem:$0x3FFB];
	_ =	sdelay $0x3  }
0x94: {  	_ =	strace s20  }
0x95: {  	s2 =	sld [smem:$0x3FFC];
	_ =	sdelay $0x3  }
0x96: {  	_ =	strace s2  }
0x97: {  	s2 =	sld [smem:$0x3FFD];
	_ =	sdelay $0x3  }
0x98: {  	_ =	strace s2  }
0x99: {  	_ =	strace $0x8FFFFFFF  }
0x9a: {  	s21 =	sld [smem:$0x3FDB];
	_ =	sdelay $0x1  }
0x9b: {  	s6 =	simm.s32 $_scs_section_size  }
0x9c: {  	s7 =	simm.s32 $_size__tile_overlayer_lowered;
	s8 =	simm.s32 $_tile_overlayer_lowered  }
0x9d: {  	s9 =	simm.s32 $0x1BFF;
	s22 =	sshll.u32 s8, $0x1;
	s6 =	sadd.s32 s6, s21  }
0x9e: {  	s23 =	simm.s32 $0x0;
	s7 =	sshll.u32 s7, $0x1;
	s8 =	sadd.s32 s22, s6  }
0x9f: {  	[timem:s23], [sflag:s9] =	dma.local [hbm:s8], s7  }
0xa0: {  	_ =	swait.ge [sflag:s9], s7  }
0xa1: {  	s7 =	ssub.s32 $0x0, s7;
	[sflag:s9] =	ssyncset.done $0x0  }
0xa2: {  	[sflag:s9] =	ssyncadd.s32 s7;
	_ =	sdelay $0x1  }
0xa3: {  	s24 =	simm.s32 $0x1B8B  }
0xa4: {  	_ =	swait.ge [sflag:s24], $0x1  }
0xa5: {  	[sflag:s24] =	ssyncset.done $0x0  }
0xa6: {  	[sflag:s24] =	ssyncadd.s32 $0xFFFFFFFF  }
0xa7: {  	s7 =	sld [smem:$0x0]  }
0xa8: {  	s8 =	sand.u32 $0xFFFFFFFE, s1  }
0xa9: {  	p0 =	sne.s32 s1, s8  }
0xaa: {  	s8 =	sshll.u32 @p0 s8, $0xE  }
0xab: {  	s8 =	sadd.s32 @p0 $0x11B8D, s8;
	s9 =	sshll.u32 @p0 s7, $0x11  }
0xac: {  	s8 =	sor.u32 @p0 s9, s8  }
0xad: {  	[sflag:s8] =	ssyncadd.remote.s32 @p0 $0x1;
	_ =	sdelay $0x1  }
0xae: {  	s8 =	simm.s32 @p0 $0x1B8D  }
0xaf: {  	_ =	swait.eq @p0 [sflag:s8], $0x1  }
0xb0: {  	[sflag:s8] =	ssyncadd.s32 @p0 $0xFFFFFFFF  }
0xb1: {  	s9 =	sshll.u32 @!p0 s1, $0xE  }
0xb2: {  	s9 =	sor.u32 @!p0 $0x4000, s9;
	s8 =	simm.s32 @!p0 $0x1B8D  }
0xb3: {  	s7 =	sshll.u32 @!p0 s7, $0x11;
	s9 =	sadd.s32 @!p0 $0x11B8D, s9;
	_ =	swait.eq @!p0 [sflag:s8], $0x1  }
0xb4: {  	s7 =	sor.u32 @!p0 s7, s9;
	[sflag:s8] =	ssyncadd.s32 @!p0 $0xFFFFFFFF  }
0xb5: {  	s25 =	simm.s32 $0x1B8E;
	[sflag:s7] =	ssyncadd.remote.s32 @!p0 $0x1  }
0xb6: {  	s26 =	simm.s32 $execute0_lowered;
	[smem:$0x3FD2] =	sst s25  }
0xb7: {  	s7 =	sshll.u32 s26, $0x1;
	_ =	strace $0x80000049;
	[dreg:$0x1] =	wrdreg $0xFFFFFFFF  }
0xb8: {  	s28 =	simm.s32 $_size_execute0_lowered;
	s6 =	sadd.s32 s6, s7;
	[dreg:$0x0] =	wrdreg $0x0  }
0xb9: {  	s7 =	sshll.u32 s28, $0x1;
	[dreg:$0x2] =	wrdreg s6  }
0xba: {  	[dreg:$0x3] =	wrdreg s7  }
0xbb: {  	[dreg:$0x4] =	wrdreg $0xC0  }
0xbc: {  	_ =	task [dreg:s23], $0x5FFFF  }
0xbd: {  	[dreg:$0x1] =	wrdreg $0xFFFFFFFF  }
0xbe: {  	[dreg:$0x0] =	wrdreg $0x60  }
0xbf: {  	[dreg:$0x2] =	wrdreg s19  }
0xc0: {  	[dreg:$0x3] =	wrdreg s4  }
0xc1: {  	[dreg:$0x4] =	wrdreg s5  }
0xc2: {  	[dreg:$0x5] =	wrdreg $0x9  }
0xc3: {  	_ =	task.clear_ibuf [dreg:s23], $0x6FFFF;
	_ =	strace $0x90000049  }
0xc4: {  	s29 =	simm.s32 $0x9;
	_ =	strace $0x8000004B  }
0xc5: {  	_ =	swait.ge [sflag:s29], $0x1  }
0xc6: {  	[sflag:s29] =	ssyncadd.s32 $0xFFFFFFFF  }
0xc7: {  	_ =	strace $0x9000004B  }
0xc8: {  	_ =	sfence  }
0xc9: {  	s30 =	sld [smem:$0x0];
	_ =	sdelay $0x2  }
0xca: {  	s31 =	sshll.u32 s1, $0xD;
	s1 =	sshrl.u32 s1, $0x2  }
0xcb: {  	s4 =	sand.u32 $0x4000, s31;
	s1 =	sadd.s32 s1, s30  }
0xcc: {  	s0 =	sor.u32 s4, s0;
	s1 =	sshll.u32 s1, $0x11  }
0xcd: {  	s0 =	sor.u32 s1, s0  }
0xce: {  	s0 =	sadd.s32 $0x8F2B, s0  }
0xcf: {  	[sflag:s0] =	ssyncadd.remote.s32 $0x1  }
0xd0: {  	_ =	sfence.sel $0xFFFF  }
0xd1: {  	[dreg:$0x0] =	wrdreg $0xFFFFFFFF;
	(pc) =	sbr.abs _section_cstart, $3  }
0xd2: {  	[dreg:$0x1] =	wrdreg $0xFFFFFFFF  }
0xd3: {  	_ =	task.clear_ibuf [dreg:s23], $0x2FFFF;
	_ =	strace $0x9FFFFFFF  }
0xd4: {  	(tm) =	ssettm $0x7FFFFFFF  }
0xd5: {  	_ =	shalt  }
tec
execute0_lowered:
.L_overlay_start_1:
0x0: {  	(tag) =	ssettag $0x1  }
0x1: {  	s1 =	rddreg [dreg:$0x0]  }
0x2: {  	s2 =	srdreg.scid;
	s4 =	rddreg [dreg:$0x1]  }
0x3: {  	s0 =	stileid.u32;
	s8 =	rddreg [dreg:$0x2];
	s6 =	sand.u32 $0x1, s2  }
0x4: {  	s3 =	simm.s32 $0x0;
	s5 =	sshll.u32 s0, $0x8;
	s7 =	sshll.u32 s6, $0x7  }
0x5: {  	[smem:$0x7FF] =	sst s3;
	s9 =	sor.u32 s7, s5  }
0x6: {  	s2 =	rddreg [dreg:$0x3];
	_ =	strace $0x8000004A;
	s5 =	sshrl.u32 s9, $0x3  }
0x7: {  	s10 =	ssub.s32 $0x2, s6;
	s5 =	sadd.s32 s4, s5;
	s4 =	simm.s32 $0x2  }
0x8: {  	[tilespmem:s3], [sflag:$0x2] =	stream.linear.gather [hbm4b:s5+s3], $0x80, $0x38;
	[tilespmem:$0x4080] =	vst v63  }
0x9: {  	s11 =	sshrl.u32 s10, $0x1;
	_ =	swait.ge [sflag:s4], $0x80  }
0xa: {  	s6 =	simm.s32 $0x80;
	s10 =	ssub.s32 s10, s11;
	[sflag:s4] =	ssyncset.done $0x0  }
0xb: {  	s7 =	simm.s32 $0x1;
	s31 =	smax.u32 s10, $0x1;
	[sflag:s4] =	ssyncadd.s32 $0xFFFFFF80  }
0xc: {  	[tilespmem:s6], [sflag:$0x1] =	stream.indirect.gather [hbm4b:s1+s6], $0x80, s3, s6, $0xb8;
	[tilespmem:$0x4080] =	vst v63  }
0xd: {  	p0 =	sne.s32 s31, $0x1;
	_ =	swait.ge [sflag:s7], $0x4000  }
.Ltmp0:
0xe: {  	s9 =	sshll.u32 s9, $0x4;
	[sflag:s7] =	ssyncset.done $0x0;
	(pc) =	sbr.rel @!p0 .LBB2_2-.Ltmp0, $4  }
0xf: {  	s8 =	sadd.s32 s8, s9;
	[sflag:s7] =	ssyncadd.s32 $0xFFFFC000  }
0x10: {  	[hbm4b:s8+s3] =	stream.linear.scatter [tilespmem:s6], [sflag:$0x2], $0x4000, $0x38;
	[tilespmem:$0x4080] =	vst v63  }
0x11: {  	_ =	swait.ge [sflag:s4], $0x4000  }
0x12: {  	s9 =	sadd.s32 $0xFFFFFFFF, s31;
	[sflag:s4] =	ssyncset.done $0x0  }
.LBB2_1:
0x13: {  	p0 =	sne.s32 s9, $0x1;
	s9 =	sadd.s32 $0xFFFFFFFF, s9;
	[sflag:s4] =	ssyncadd.s32 $0xFFFFC000  }
0x14: {  	[tilespmem:s3], [sflag:$0x2] =	stream.linear.gather [hbm4b:s5+s3], $0x80, $0x38;
	[tilespmem:$0x4080] =	vst v63  }
0x15: {  	_ =	swait.ge [sflag:s4], $0x80  }
0x16: {  	[sflag:s4] =	ssyncset.done $0x0  }
0x17: {  	[sflag:s4] =	ssyncadd.s32 $0xFFFFFF80  }
0x18: {  	[tilespmem:s6], [sflag:$0x1] =	stream.indirect.gather [hbm4b:s1+s6], $0x80, s3, s6, $0xb8;
	[tilespmem:$0x4080] =	vst v63  }
0x19: {  	_ =	swait.ge [sflag:s7], $0x4000  }
.Ltmp1:
0x1a: {  	[sflag:s7] =	ssyncset.done $0x0;
	(pc) =	sbr.rel @p0 .LBB2_1-.Ltmp1, $4  }
0x1b: {  	[sflag:s7] =	ssyncadd.s32 $0xFFFFC000  }
0x1c: {  	[hbm4b:s8+s3] =	stream.linear.scatter [tilespmem:s6], [sflag:$0x2], $0x4000, $0x38;
	[tilespmem:$0x4080] =	vst v63  }
0x1d: {  	_ =	swait.ge [sflag:s4], $0x4000  }
0x1e: {  	[sflag:s4] =	ssyncset.done $0x0  }
.LBB2_2:
0x1f: {  	[sflag:s4] =	ssyncadd.s32 $0xFFFFC000  }
0x20: {  	_ =	sfence.sel $0x180000  }
0x21: {  	[bflag:$0x0] =	sbarrier.arrive $0xFFFF  }
0x22: {  	p0 =	sne.s32 s0, $0x0;
	_ =	strace $0x9000004A  }
0x23: {  	s0 =	sadd.s32 @!p0 $0x100000, s2;
	[bflag:$0x2] =	sbarrier.arrive $0xFFFF  }
0x24: {  	[sflag:s0] =	ssyncadd.tile.s32 @!p0 $0x1;
	_ =	shalt  }
.Lfunc_end2:
_tile_overlayer_lowered:
.L_overlay_start_2:
0x25: {  	(tag) =	ssettag $0x2  }
0x26: {  	s0 =	rddreg [dreg:$0x0];
	s2 =	stileid.u32  }
0x27: {  	s1 =	rddreg [dreg:$0x1];
	p0 =	sne.s32 s2, $0x0  }
0x28: {  	s3 =	rddreg [dreg:$0x2];
	[bflag:$0x3] =	sbarrier.arrive $0xFFFF;
	s2 =	simm.s32 @!p0 $0x1C02  }
0x29: {  	[timem:s3], [sflag:s2] =	dma.local @!p0 [hbm:s0], s1  }
0x2a: {  	s0 =	simm.s32 @!p0 $0x2  }
0x2b: {  	_ =	swait.ge @!p0 [sflag:s0], s1  }
0x2c: {  	s1 =	ssub.s32 @!p0 $0x0, s1;
	[sflag:s0] =	ssyncset.done @!p0 $0x0  }
0x2d: {  	[sflag:s0] =	ssyncadd.s32 @!p0 s1  }
0x2e: {  	[bflag:$0x3] =	sbarrier.arrive $0xFFFF  }
0x2f: {  	_ =	shalt  }

// kernel: kernel.8.cloned.1.call-start
scs
__scs_entry_jumppad:
0x0: {  	(pc) =	sbr.rel $0x88, $3  }
0x1: {  	(tag) =	ssettag $0x0;
	lr =	simm.s32 $0x1  }
0x2: {  	[smem:$0x3F99] =	sst lr;
	_ =	strace $0xD0000000  }
0x3: {  	_ = 	snop  }
0x4: {  	_ = 	snop  }
0x5: {  	_ = 	snop  }
0x6: {  	_ = 	snop  }
0x7: {  	_ = 	snop  }
__scs_overlays_trampoline_lowered:
0x8: {  	[smem:$0x3FA8] =	sst s0  }
0x9: {  	[smem:$0x3FA9] =	sst s1  }
0xa: {  	[smem:$0x3FAA] =	sst s2  }
0xb: {  	[smem:$0x3FAB] =	sst s3  }
0xc: {  	[smem:$0x3FAC] =	sst s4  }
0xd: {  	[smem:$0x3FAD] =	sst s5  }
0xe: {  	[smem:$0x3FAE] =	sst s6  }
0xf: {  	[smem:$0x3FAF] =	sst s7  }
0x10: {  	[smem:$0x3FB0] =	sst s8  }
0x11: {  	[smem:$0x3FB1] =	sst s9;
	s0 =	simm.s32 @!p0 $0x0  }
0x12: {  	s1 =	sld [smem:$0x3F97];
	s0 =	simm.s32 @p0 $0x1  }
0x13: {  	[smem:$0x3FB2] =	sst s0;
	s0 =	simm.s32 @!p1 $0x0  }
0x14: {  	s2 =	sld [smem:$0x3F96];
	s0 =	simm.s32 @p1 $0x1  }
0x15: {  	[smem:$0x3FB3] =	sst s0;
	s0 =	simm.s32 @!p2 $0x0  }
0x16: {  	s3 =	sld [smem:$0x3FDB];
	s0 =	simm.s32 @p2 $0x1  }
0x17: {  	s4 =	simm.s32 $0x1BF5;
	[smem:$0x3FB5] =	sst s0  }
0x18: {  	s0 =	sld [smem:$0x3F98];
	_ =	swait.ge [sflag:s4], $0x0  }
0x19: {  	s7 =	sld [smem:$0x3F99]  }
0x1a: {  	s8 =	sadd.s32 $0xFFFFE003, lr  }
0x1b: {  	s9 =	sadd.s32 $0xFFFFFEF7, lr;
	s5 =	simm.s32 $0xFFFFFFFF;
	p2 =	slt.u32 s8, $0xFFFFF086  }
0x1c: {  	p1 =	slt.u32 s9, $0xF7A;
	s5 =	simm.s32 @!p2 $0x0  }
0x1d: {  	s5 =	simm.s32 @p1 $0x1;
	p0 =	seq.s32 s7, s2  }
0x1e: {  	s7 =	smul.u32 @!p0 $0xF7A, s2;
	p2 =	seq.s32 @!p0 s5, $0x0  }
0x1f: {  	s9 =	smul.u32 $0xF7A, s1;
	s8 =	simm.s32 @!p0 $0x1BF5;
	p2 =	por !p2, p0  }
0x20: {  	[sflag:s8] =	ssyncset.s32 @!p0 $0xFFFFF086;
	s6 =	sadd.s32 @!p0 s3, s7;
	s7 =	simm.s32 @!p0 $0x108  }
0x21: {  	s3 =	sadd.s32 s3, s9;
	s6 =	sadd.s32 @!p0 $0x88, s6;
	s7 =	simm.s32 @p2 $0x1082  }
0x22: {  	[simem:s7], [sflag:s8] =	dma.local @!p0 [hbm:s6], $0xF7A  }
0x23: {  	s9 =	sor.u32 $0xD0000000, s2;
	s6 =	simm.s32 $0x108;
	_ =	swait.ge @!p0 [sflag:s8], $0x0  }
0x24: {  	s3 =	sadd.s32 $0x88, s3;
	s6 =	simm.s32 @!p1 $0x1082;
	[sflag:s4] =	ssyncset.s32 $0xFFFFF086  }
0x25: {  	[simem:s6], [sflag:s4] =	dma.local [hbm:s3], $0xF7A  }
0x26: {  	[smem:$0x3F99] =	sst s1;
	(tag) =	ssettag s2;
	_ =	strace s9  }
0x27: {  	s1 =	sld [smem:$0x3FA9]  }
0x28: {  	s2 =	sld [smem:$0x3FAA]  }
0x29: {  	s4 =	sld [smem:$0x3FAC]  }
0x2a: {  	p0 =	seq.s32 s5, $0x0;
	s5 =	sld [smem:$0x3FAD]  }
0x2b: {  	s6 =	sld [smem:$0x3FAE]  }
0x2c: {  	s7 =	sld [smem:$0x3FAF]  }
0x2d: {  	s3 =	simm.s32 $0x108;
	s8 =	sld [smem:$0x3FB0]  }
0x2e: {  	s3 =	simm.s32 @!p0 $0x1082;
	s9 =	sld [smem:$0x3FB1]  }
0x2f: {  	lr =	sadd.s32 s0, s3;
	s0 =	sld [smem:$0x3FA8]  }
0x30: {  	s3 =	sld [smem:$0x3FAB]  }
0x31: {  	[smem:$0x3FB4] =	sst s10  }
0x32: {  	s10 =	sld [smem:$0x3FB2];
	_ =	sdelay $0x3  }
0x33: {  	p0 =	seq.s32 s10, $0x1;
	s10 =	sld [smem:$0x3FB4];
	_ =	sdelay $0x3  }
0x34: {  	[smem:$0x3FB4] =	sst s10  }
0x35: {  	s10 =	sld [smem:$0x3FB3];
	_ =	sdelay $0x3  }
0x36: {  	p1 =	seq.s32 s10, $0x1;
	s10 =	sld [smem:$0x3FB4];
	_ =	sdelay $0x3  }
0x37: {  	[smem:$0x3FB4] =	sst s10  }
0x38: {  	s10 =	sld [smem:$0x3FB5]  }
0x39: {  	_ = 	snop;
	(pc) =	sbr.ind lr, $3  }
0x3a: {  	_ = 	snop  }
0x3b: {  	_ = 	snop  }
0x3c: {  	p2 =	seq.s32 s10, $0x1;
	s10 =	sld [smem:$0x3FB4]  }
0x3d: {  	_ =	shalt  }
0x3e: {  	_ =	shalt  }
0x3f: {  	_ =	shalt  }
0x40: {  	_ =	shalt  }
0x41: {  	_ =	shalt  }
0x42: {  	_ =	shalt  }
0x43: {  	_ =	shalt  }
0x44: {  	_ =	shalt  }
0x45: {  	_ =	shalt  }
0x46: {  	_ =	shalt  }
0x47: {  	_ =	shalt  }
0x48: {  	_ =	shalt  }
0x49: {  	_ =	shalt  }
0x4a: {  	_ =	shalt  }
0x4b: {  	_ =	shalt  }
0x4c: {  	_ =	shalt  }
0x4d: {  	_ =	shalt  }
0x4e: {  	_ =	shalt  }
0x4f: {  	_ =	shalt  }
0x50: {  	_ =	shalt  }
0x51: {  	_ =	shalt  }
0x52: {  	_ =	shalt  }
0x53: {  	_ =	shalt  }
0x54: {  	_ =	shalt  }
0x55: {  	_ =	shalt  }
0x56: {  	_ =	shalt  }
0x57: {  	_ =	shalt  }
0x58: {  	_ =	shalt  }
0x59: {  	_ =	shalt  }
0x5a: {  	_ =	shalt  }
0x5b: {  	_ =	shalt  }
0x5c: {  	_ =	shalt  }
0x5d: {  	_ =	shalt  }
0x5e: {  	_ =	shalt  }
0x5f: {  	_ =	shalt  }
0x60: {  	_ =	shalt  }
0x61: {  	_ =	shalt  }
0x62: {  	_ =	shalt  }
0x63: {  	_ =	shalt  }
0x64: {  	_ =	shalt  }
0x65: {  	_ =	shalt  }
0x66: {  	_ =	shalt  }
0x67: {  	_ =	shalt  }
0x68: {  	_ =	shalt  }
0x69: {  	_ =	shalt  }
0x6a: {  	_ =	shalt  }
0x6b: {  	_ =	shalt  }
0x6c: {  	_ =	shalt  }
0x6d: {  	_ =	shalt  }
0x6e: {  	_ =	shalt  }
0x6f: {  	_ =	shalt  }
0x70: {  	_ =	shalt  }
0x71: {  	_ =	shalt  }
0x72: {  	_ =	shalt  }
0x73: {  	_ =	shalt  }
0x74: {  	_ =	shalt  }
0x75: {  	_ =	shalt  }
0x76: {  	_ =	shalt  }
0x77: {  	_ =	shalt  }
0x78: {  	_ =	shalt  }
0x79: {  	_ =	shalt  }
0x7a: {  	_ =	shalt  }
0x7b: {  	_ =	shalt  }
0x7c: {  	_ =	shalt  }
0x7d: {  	_ =	shalt  }
0x7e: {  	_ =	shalt  }
0x7f: {  	_ =	shalt  }
0x80: {  	_ =	shalt  }
0x81: {  	_ =	shalt  }
0x82: {  	_ =	shalt  }
0x83: {  	_ =	shalt  }
0x84: {  	_ =	shalt  }
0x85: {  	_ =	shalt  }
0x86: {  	_ =	shalt  }
0x87: {  	_ =	shalt  }
.Lfunc_end0:
.L_simem_size_0:
called_computation.1_lowered:
.L_overlay_start_0:
0x88: {  	s2 =	sld [smem:$0x3FD9]  }
0x89: {  	s3 =	sld [smem:$0x3FFE];
	_ =	sdelay $0x1  }
0x8a: {  	s1 =	srdreg.scid  }
0x8b: {  	s0 =	sand.u32 $0x1, s1  }
0x8c: {  	s16 =	sshll.u32 s0, $0xA;
	s2 =	sadd.s32 s3, s2  }
0x8d: {  	s2 =	sadd.s32 s2, s16  }
0x8e: {  	[smem:$0x3FC0] =	sst s2  }
0x8f: {  	_ = 	snop  }
0x90: {  	(tm) =	ssettm $0x1  }
0x91: {  	s17 =	sld [smem:$0x3FFB];
	_ =	sdelay $0x3  }
0x92: {  	_ =	strace s17  }
0x93: {  	s2 =	sld [smem:$0x3FFC];
	_ =	sdelay $0x3  }
0x94: {  	_ =	strace s2  }
0x95: {  	s2 =	sld [smem:$0x3FFD];
	_ =	sdelay $0x3  }
0x96: {  	_ =	strace s2  }
0x97: {  	_ =	strace $0x8FFFFFFF  }
0x98: {  	s18 =	sld [smem:$0x3FDB];
	_ =	sdelay $0x1  }
0x99: {  	s19 =	simm.s32 $_scs_section_size  }
0x9a: {  	s4 =	simm.s32 $_size__tile_overlayer_lowered;
	s5 =	simm.s32 $_tile_overlayer_lowered  }
0x9b: {  	s22 =	simm.s32 $0x1BFF;
	s21 =	sshll.u32 s5, $0x1;
	s2 =	sadd.s32 s19, s18  }
0x9c: {  	s6 =	simm.s32 $0x0;
	s20 =	sshll.u32 s4, $0x1;
	s4 =	sadd.s32 s21, s2  }
0x9d: {  	[timem:s6], [sflag:s22] =	dma.local [hbm:s4], s20  }
0x9e: {  	_ =	swait.ge [sflag:s22], s20  }
0x9f: {  	s3 =	ssub.s32 $0x0, s20;
	[sflag:s22] =	ssyncset.done $0x0  }
0xa0: {  	[sflag:s22] =	ssyncadd.s32 s3;
	_ =	sdelay $0x1  }
0xa1: {  	s23 =	simm.s32 $0x1B8B  }
0xa2: {  	_ =	swait.ge [sflag:s23], $0x1  }
0xa3: {  	[sflag:s23] =	ssyncset.done $0x0  }
0xa4: {  	s25 =	simm.s32 $0x1B8E;
	s24 =	sld [smem:$0x3FFE];
	[sflag:s23] =	ssyncadd.s32 $0xFFFFFFFF  }
0xa5: {  	s26 =	simm.s32 $execute0_lowered;
	[smem:$0x3FD2] =	sst s25  }
0xa6: {  	s4 =	sshll.u32 s26, $0x1;
	_ =	strace $0x80000046;
	[dreg:$0x1] =	wrdreg $0xFFFFFFFF  }
0xa7: {  	s28 =	simm.s32 $_size_execute0_lowered;
	s2 =	sadd.s32 s2, s4;
	[dreg:$0x0] =	wrdreg $0x0  }
0xa8: {  	s4 =	sshll.u32 s28, $0x1;
	[dreg:$0x2] =	wrdreg s2  }
0xa9: {  	[dreg:$0x3] =	wrdreg s4  }
0xaa: {  	[dreg:$0x4] =	wrdreg $0xC0  }
0xab: {  	_ =	task [dreg:s6], $0x5FFFF  }
0xac: {  	[dreg:$0x1] =	wrdreg $0xFFFFFFFF  }
0xad: {  	[dreg:$0x0] =	wrdreg $0x60  }
0xae: {  	[dreg:$0x2] =	wrdreg s24  }
0xaf: {  	[dreg:$0x3] =	wrdreg $0xA  }
0xb0: {  	_ =	task.clear_ibuf [dreg:s6], $0x4FFFF;
	_ =	strace $0x90000046  }
0xb1: {  	s29 =	simm.s32 $0xA;
	_ =	strace $0x80000048  }
0xb2: {  	_ =	swait.ge [sflag:s29], $0x1  }
0xb3: {  	[sflag:s29] =	ssyncadd.s32 $0xFFFFFFFF  }
0xb4: {  	_ =	strace $0x90000048  }
0xb5: {  	_ =	sfence  }
0xb6: {  	s30 =	sld [smem:$0x0];
	_ =	sdelay $0x2  }
0xb7: {  	s31 =	sshll.u32 s1, $0xD;
	s1 =	sshrl.u32 s1, $0x2  }
0xb8: {  	s3 =	sand.u32 $0x4000, s31;
	s1 =	sadd.s32 s1, s30  }
0xb9: {  	s0 =	sor.u32 s3, s0;
	s1 =	sshll.u32 s1, $0x11  }
0xba: {  	s0 =	sor.u32 s1, s0  }
0xbb: {  	s0 =	sadd.s32 $0x8F2B, s0  }
0xbc: {  	[sflag:s0] =	ssyncadd.remote.s32 $0x1  }
0xbd: {  	_ =	sfence.sel $0xFFFF  }
0xbe: {  	[dreg:$0x0] =	wrdreg $0xFFFFFFFF;
	(pc) =	sbr.abs _section_cstart, $3  }
0xbf: {  	[dreg:$0x1] =	wrdreg $0xFFFFFFFF  }
0xc0: {  	_ =	task.clear_ibuf [dreg:s6], $0x2FFFF;
	_ =	strace $0x9FFFFFFF  }
0xc1: {  	(tm) =	ssettm $0x7FFFFFFF  }
tec
execute0_lowered:
.L_overlay_start_1:
0x0: {  	(tag) =	ssettag $0x1  }
0x1: {  	s1 =	srdreg.scid  }
0x2: {  	s0 =	stileid.u32;
	s4 =	rddreg [dreg:$0x0];
	s2 =	simm.s32 $0x0  }
0x3: {  	s9 =	simm.s32 $0x1400;
	s10 =	simm.s32 $0x2400;
	s11 =	simm.s32 $0x3400  }
0x4: {  	s12 =	simm.s32 $0x4400;
	s13 =	simm.s32 $0x5400;
	s14 =	simm.s32 $0x1  }
0x5: {  	s15 =	simm.s32 $0x6400;
	s5 =	sand.u32 $0x1, s1;
	s1 =	rddreg [dreg:$0x1]  }
0x6: {  	s16 =	simm.s32 $0x0;
	s3 =	sshll.u32 s0, $0x1;
	[smem:$0x7FF] =	sst s2  }
0x7: {  	s6 =	sor.u32 s5, s3;
	_ =	strace $0x80000047;
	s5 =	ssub.s32 $0x2, s5  }
0x8: {  	s7 =	smul.u32 $0x280, s6;
	s6 =	sshll.u32 s6, $0xB;
	s8 =	sshrl.u32 s5, $0x1  }
0x9: {  	s3 =	sadd.s32 $0x61BE00, s4;
	s6 =	sadd.s32 s6, s4;
	s8 =	ssub.s32 s5, s8  }
0xa: {  	s7 =	sadd.s32 s7, s4;
	s5 =	sadd.s32 $0x6600, s6;
	s6 =	smax.u32 s8, $0x1  }
0xb: {  	s8 =	simm.s32 $0x80;
	s4 =	sadd.s32 $0x1600, s7;
	s7 =	simm.s32 $0x2  }
.LBB2_1:
0xc: {  	[tilespmem:s2], [sflag:$0x2] =	stream.linear.gather [hbm4b:s4+s2], $0x1400, $0x38;
	[tilespmem:$0x6C00] =	vst v63  }
0xd: {  	_ =	swait.ge [sflag:s7], $0x1400  }
0xe: {  	[sflag:s7] =	ssyncset.done $0x0  }
0xf: {  	s17 =	simm.s32 $0x0;
	[sflag:s7] =	ssyncadd.s32 $0xFFFFEC00  }
.LBB2_2:
0x10: {  	s18 =	smul.u32 $0xA00, s17;
	_ =	sdelay $0x1  }
0x11: {  	s18 =	sshra.s32 s18, $0x2  }
0x12: {  	[tilespmem:s9], [sflag:$0x1] =	stream.indirect.gather [hbm4b:s3+s8], $0x20, s18, s8, $0xb8;
	[tilespmem:$0x6C00] =	vst v63  }
0x13: {  	s19 =	sadd.s32 $0x80, s18  }
0x14: {  	[tilespmem:s10], [sflag:$0x1] =	stream.indirect.gather [hbm4b:s3+s8], $0x20, s19, s8, $0xb8;
	[tilespmem:$0x6C00] =	vst v63  }
0x15: {  	s30 =	sadd.s32 $0x100, s18  }
0x16: {  	[tilespmem:s11], [sflag:$0x1] =	stream.indirect.gather [hbm4b:s3+s8], $0x20, s30, s8, $0xb8;
	[tilespmem:$0x6C00] =	vst v63  }
0x17: {  	s31 =	sadd.s32 $0x180, s18  }
0x18: {  	[tilespmem:s12], [sflag:$0x1] =	stream.indirect.gather [hbm4b:s3+s8], $0x20, s31, s8, $0xb8;
	[tilespmem:$0x6C00] =	vst v63  }
0x19: {  	s18 =	sadd.s32 $0x200, s18  }
0x1a: {  	[tilespmem:s13], [sflag:$0x1] =	stream.indirect.gather [hbm4b:s3+s8], $0x20, s18, s8, $0xb8;
	[tilespmem:$0x6C00] =	vst v63  }
0x1b: {  	_ =	swait.ge [sflag:s14], $0x1000  }
0x1c: {  	[sflag:s14] =	ssyncset.done $0x0  }
0x1d: {  	[sflag:s14] =	ssyncadd.s32 $0xFFFFF000  }
0x1e: {  	_ =	swait.ge [sflag:s14], $0x1000  }
0x1f: {  	[sflag:s14] =	ssyncset.done $0x0  }
0x20: {  	[sflag:s14] =	ssyncadd.s32 $0xFFFFF000  }
0x21: {  	_ =	swait.ge [sflag:s14], $0x1000  }
0x22: {  	[sflag:s14] =	ssyncset.done $0x0  }
0x23: {  	[sflag:s14] =	ssyncadd.s32 $0xFFFFF000  }
0x24: {  	_ =	swait.ge [sflag:s14], $0x1000  }
0x25: {  	[sflag:s14] =	ssyncset.done $0x0  }
0x26: {  	[sflag:s14] =	ssyncadd.s32 $0xFFFFF000  }
0x27: {  	_ =	swait.ge [sflag:s14], $0x1000  }
0x28: {  	[sflag:s14] =	ssyncset.done $0x0  }
0x29: {  	s18 =	simm.s32 $0x1680;
	[sflag:s14] =	ssyncadd.s32 $0xFFFFF000  }
0x2a: {  	v0 =	vld [tilespmem:s18+$0xFFFFFDA0]  }
0x2b: {  	v1 =	vld [tilespmem:s18+$0xFFFFFD80];
	_ =	sdelay $0x1  }
0x2c: {  	v2 =	vld [tilespmem:s18+$0xFFFFFDC0];
	_ =	sdelay $0x1  }
0x2d: {  	v3 =	vld [tilespmem:s18+$0xFFFFFDE0]  }
0x2e: {  	v0 =	vadd.f32 v0, v1  }
0x2f: {  	v1 =	vld [tilespmem:s18+$0xFFFFFE00]  }
0x30: {  	v0 =	vadd.f32 v2, v0  }
0x31: {  	v2 =	vld [tilespmem:s18+$0xFFFFFE20]  }
0x32: {  	v0 =	vadd.f32 v3, v0  }
0x33: {  	v3 =	vld [tilespmem:s18+$0xFFFFFE40]  }
0x34: {  	v0 =	vadd.f32 v1, v0  }
0x35: {  	v1 =	vld [tilespmem:s18+$0xFFFFFE60]  }
0x36: {  	v0 =	vadd.f32 v2, v0  }
0x37: {  	v2 =	vld [tilespmem:s18+$0xFFFFFE80]  }
0x38: {  	v0 =	vadd.f32 v3, v0  }
0x39: {  	v3 =	vld [tilespmem:s18+$0xFFFFFEA0]  }
0x3a: {  	v0 =	vadd.f32 v1, v0;
	_ =	sdelay $0x1  }
0x3b: {  	v0 =	vadd.f32 v2, v0;
	_ =	sdelay $0x1  }
0x3c: {  	v0 =	vadd.f32 v3, v0  }
0x3d: {  	s19 =	simm.s32 $0x0  }
0x3e: {  	[tilespmem:s19+$0x6400] =	vst v0  }
0x3f: {  	v0 =	vld [tilespmem:s18+$0xFFFFFD90]  }
0x40: {  	v1 =	vld [tilespmem:s18+$0xFFFFFDB0];
	_ =	sdelay $0x1  }
0x41: {  	v2 =	vld [tilespmem:s18+$0xFFFFFDD0];
	_ =	sdelay $0x1  }
0x42: {  	v3 =	vld [tilespmem:s18+$0xFFFFFDF0]  }
0x43: {  	v0 =	vadd.f32 v1, v0  }
0x44: {  	v1 =	vld [tilespmem:s18+$0xFFFFFE10]  }
0x45: {  	v0 =	vadd.f32 v2, v0  }
0x46: {  	v2 =	vld [tilespmem:s18+$0xFFFFFE30]  }
0x47: {  	v0 =	vadd.f32 v3, v0  }
0x48: {  	v3 =	vld [tilespmem:s18+$0xFFFFFE50]  }
0x49: {  	v0 =	vadd.f32 v1, v0  }
0x4a: {  	v1 =	vld [tilespmem:s18+$0xFFFFFE70]  }
0x4b: {  	v0 =	vadd.f32 v2, v0  }
0x4c: {  	v2 =	vld [tilespmem:s18+$0xFFFFFE90]  }
0x4d: {  	v0 =	vadd.f32 v3, v0  }
0x4e: {  	v3 =	vld [tilespmem:s18+$0xFFFFFEB0]  }
0x4f: {  	v0 =	vadd.f32 v1, v0;
	_ =	sdelay $0x1  }
0x50: {  	v0 =	vadd.f32 v2, v0;
	_ =	sdelay $0x1  }
0x51: {  	v0 =	vadd.f32 v3, v0;
	_ =	sdelay $0x1  }
0x52: {  	[tilespmem:s19+$0x6410] =	vst v0  }
0x53: {  	v0 =	vld [tilespmem:s18+$0xFFFFFEC0]  }
0x54: {  	v1 =	vld [tilespmem:s18+$0xFFFFFEE0];
	_ =	sdelay $0x1  }
0x55: {  	v2 =	vld [tilespmem:s18+$0xFFFFFF00];
	_ =	sdelay $0x1  }
0x56: {  	v3 =	vld [tilespmem:s18+$0xFFFFFF20]  }
0x57: {  	v0 =	vadd.f32 v1, v0  }
0x58: {  	v1 =	vld [tilespmem:s18+$0xFFFFFF40]  }
0x59: {  	v0 =	vadd.f32 v2, v0  }
0x5a: {  	v2 =	vld [tilespmem:s18+$0xFFFFFF60]  }
0x5b: {  	v0 =	vadd.f32 v3, v0  }
0x5c: {  	v3 =	vld [tilespmem:s18+$0xFFFFFF80]  }
0x5d: {  	v0 =	vadd.f32 v1, v0  }
0x5e: {  	v1 =	vld [tilespmem:s18+$0xFFFFFFA0]  }
0x5f: {  	v0 =	vadd.f32 v2, v0  }
0x60: {  	v2 =	vld [tilespmem:s18+$0xFFFFFFC0]  }
0x61: {  	v0 =	vadd.f32 v3, v0  }
0x62: {  	v3 =	vld [tilespmem:s18+$0xFFFFFFE0]  }
0x63: {  	v0 =	vadd.f32 v1, v0;
	_ =	sdelay $0x1  }
0x64: {  	v0 =	vadd.f32 v2, v0;
	_ =	sdelay $0x1  }
0x65: {  	v0 =	vadd.f32 v3, v0;
	_ =	sdelay $0x1  }
0x66: {  	[tilespmem:s19+$0x6420] =	vst v0  }
0x67: {  	v0 =	vld [tilespmem:s18+$0xFFFFFED0]  }
0x68: {  	v1 =	vld [tilespmem:s18+$0xFFFFFEF0];
	_ =	sdelay $0x1  }
0x69: {  	v2 =	vld [tilespmem:s18+$0xFFFFFF10];
	_ =	sdelay $0x1  }
0x6a: {  	v3 =	vld [tilespmem:s18+$0xFFFFFF30]  }
0x6b: {  	v0 =	vadd.f32 v1, v0  }
0x6c: {  	v1 =	vld [tilespmem:s18+$0xFFFFFF50]  }
0x6d: {  	v0 =	vadd.f32 v2, v0  }
0x6e: {  	v2 =	vld [tilespmem:s18+$0xFFFFFF70]  }
0x6f: {  	v0 =	vadd.f32 v3, v0  }
0x70: {  	v3 =	vld [tilespmem:s18+$0xFFFFFF90]  }
0x71: {  	v0 =	vadd.f32 v1, v0  }
0x72: {  	v1 =	vld [tilespmem:s18+$0xFFFFFFB0]  }
0x73: {  	v0 =	vadd.f32 v2, v0  }
0x74: {  	v2 =	vld [tilespmem:s18+$0xFFFFFFD0]  }
0x75: {  	v0 =	vadd.f32 v3, v0  }
0x76: {  	v3 =	vld [tilespmem:s18+$0xFFFFFFF0]  }
0x77: {  	v0 =	vadd.f32 v1, v0;
	_ =	sdelay $0x1  }
0x78: {  	v0 =	vadd.f32 v2, v0;
	_ =	sdelay $0x1  }
0x79: {  	v0 =	vadd.f32 v3, v0;
	_ =	sdelay $0x1  }
0x7a: {  	[tilespmem:s19+$0x6430] =	vst v0  }
0x7b: {  	v0 =	vld [tilespmem:s18+$0x0]  }
0x7c: {  	v1 =	vld [tilespmem:s18+$0x20];
	_ =	sdelay $0x1  }
0x7d: {  	v2 =	vld [tilespmem:s18+$0x40];
	_ =	sdelay $0x1  }
0x7e: {  	v3 =	vld [tilespmem:s18+$0x60]  }
0x7f: {  	v0 =	vadd.f32 v1, v0  }
0x80: {  	v1 =	vld [tilespmem:s18+$0x80]  }
0x81: {  	v0 =	vadd.f32 v2, v0  }
0x82: {  	v2 =	vld [tilespmem:s18+$0xA0]  }
0x83: {  	v0 =	vadd.f32 v3, v0  }
0x84: {  	v3 =	vld [tilespmem:s18+$0xC0]  }
0x85: {  	v0 =	vadd.f32 v1, v0  }
0x86: {  	v1 =	vld [tilespmem:s18+$0xE0]  }
0x87: {  	v0 =	vadd.f32 v2, v0  }
0x88: {  	v2 =	vld [tilespmem:s18+$0x100]  }
0x89: {  	v0 =	vadd.f32 v3, v0  }
0x8a: {  	v3 =	vld [tilespmem:s18+$0x120]  }
0x8b: {  	v0 =	vadd.f32 v1, v0;
	_ =	sdelay $0x1  }
0x8c: {  	v0 =	vadd.f32 v2, v0;
	_ =	sdelay $0x1  }
0x8d: {  	v0 =	vadd.f32 v3, v0;
	_ =	sdelay $0x1  }
0x8e: {  	[tilespmem:s19+$0x6440] =	vst v0  }
0x8f: {  	v0 =	vld [tilespmem:s18+$0x10]  }
0x90: {  	v1 =	vld [tilespmem:s18+$0x30];
	_ =	sdelay $0x1  }
0x91: {  	v2 =	vld [tilespmem:s18+$0x50];
	_ =	sdelay $0x1  }
0x92: {  	v3 =	vld [tilespmem:s18+$0x70]  }
0x93: {  	v0 =	vadd.f32 v1, v0  }
0x94: {  	v1 =	vld [tilespmem:s18+$0x90]  }
0x95: {  	v0 =	vadd.f32 v2, v0  }
0x96: {  	v2 =	vld [tilespmem:s18+$0xB0]  }
0x97: {  	v0 =	vadd.f32 v3, v0  }
0x98: {  	v3 =	vld [tilespmem:s18+$0xD0]  }
0x99: {  	v0 =	vadd.f32 v1, v0  }
0x9a: {  	v1 =	vld [tilespmem:s18+$0xF0]  }
0x9b: {  	v0 =	vadd.f32 v2, v0  }
0x9c: {  	v2 =	vld [tilespmem:s18+$0x110]  }
0x9d: {  	v0 =	vadd.f32 v3, v0  }
0x9e: {  	v3 =	vld [tilespmem:s18+$0x130]  }
0x9f: {  	v0 =	vadd.f32 v1, v0;
	_ =	sdelay $0x1  }
0xa0: {  	v0 =	vadd.f32 v2, v0;
	_ =	sdelay $0x1  }
0xa1: {  	v0 =	vadd.f32 v3, v0;
	_ =	sdelay $0x1  }
0xa2: {  	[tilespmem:s19+$0x6450] =	vst v0  }
0xa3: {  	v0 =	vld [tilespmem:s18+$0x140]  }
0xa4: {  	v1 =	vld [tilespmem:s18+$0x160];
	_ =	sdelay $0x1  }
0xa5: {  	v2 =	vld [tilespmem:s18+$0x180];
	_ =	sdelay $0x1  }
0xa6: {  	v3 =	vld [tilespmem:s18+$0x1A0]  }
0xa7: {  	v0 =	vadd.f32 v1, v0  }
0xa8: {  	v1 =	vld [tilespmem:s18+$0x1C0]  }
0xa9: {  	v0 =	vadd.f32 v2, v0  }
0xaa: {  	v2 =	vld [tilespmem:s18+$0x1E0]  }
0xab: {  	v0 =	vadd.f32 v3, v0  }
0xac: {  	v3 =	vld [tilespmem:s18+$0x200]  }
0xad: {  	v0 =	vadd.f32 v1, v0  }
0xae: {  	v1 =	vld [tilespmem:s18+$0x220]  }
0xaf: {  	v0 =	vadd.f32 v2, v0  }
0xb0: {  	v2 =	vld [tilespmem:s18+$0x240]  }
0xb1: {  	v0 =	vadd.f32 v3, v0  }
0xb2: {  	v3 =	vld [tilespmem:s18+$0x260]  }
0xb3: {  	v0 =	vadd.f32 v1, v0;
	_ =	sdelay $0x1  }
0xb4: {  	v0 =	vadd.f32 v2, v0;
	_ =	sdelay $0x1  }
0xb5: {  	v0 =	vadd.f32 v3, v0;
	_ =	sdelay $0x1  }
0xb6: {  	[tilespmem:s19+$0x6460] =	vst v0  }
0xb7: {  	v0 =	vld [tilespmem:s18+$0x150]  }
0xb8: {  	v1 =	vld [tilespmem:s18+$0x170];
	_ =	sdelay $0x1  }
0xb9: {  	v2 =	vld [tilespmem:s18+$0x190];
	_ =	sdelay $0x1  }
0xba: {  	v3 =	vld [tilespmem:s18+$0x1B0]  }
0xbb: {  	v0 =	vadd.f32 v1, v0  }
0xbc: {  	v1 =	vld [tilespmem:s18+$0x1D0]  }
0xbd: {  	v0 =	vadd.f32 v2, v0  }
0xbe: {  	v4 =	vld [tilespmem:s18+$0x1F0]  }
0xbf: {  	v2 =	vadd.f32 v3, v0  }
0xc0: {  	v3 =	vld [tilespmem:s18+$0x210]  }
0xc1: {  	v0 =	vld [tilespmem:s18+$0x230];
	v5 =	vadd.f32 v1, v2  }
0xc2: {  	v1 =	vld [tilespmem:s18+$0x250]  }
0xc3: {  	s20 =	simm.s32 $0x200;
	v2 =	vld [tilespmem:s18+$0x270];
	v4 =	vadd.f32 v4, v5  }
.LBB2_3:
0xc4: {  	p0 =	sne.s32 s20, $0x1E00  }
0xc5: {  	s18 =	sadd.s32 $0x500, s18;
	s21 =	smov.u32 s20;
	s20 =	sadd.s32 $0x200, s20;
	v3 =	vadd.f32 v3, v4  }
0xc6: {  	_ = 	snop  }
0xc7: {  	v0 =	vadd.f32 v0, v3;
	_ =	sdelay $0x1  }
0xc8: {  	v0 =	vadd.f32 v1, v0;
	_ =	sdelay $0x1  }
0xc9: {  	v0 =	vadd.f32 v2, v0;
	_ =	sdelay $0x1  }
0xca: {  	[tilespmem:s19+$0x6470] =	vst v0  }
0xcb: {  	v0 =	vld [tilespmem:s18+$0xFFFFFDA0]  }
0xcc: {  	v1 =	vld [tilespmem:s18+$0xFFFFFD80]  }
0xcd: {  	v2 =	vld [tilespmem:s18+$0xFFFFFDC0];
	_ =	sdelay $0x2  }
0xce: {  	v3 =	vld [tilespmem:s18+$0xFFFFFDE0]  }
0xcf: {  	v0 =	vadd.f32 v0, v1  }
0xd0: {  	v1 =	vld [tilespmem:s18+$0xFFFFFE00]  }
0xd1: {  	v0 =	vadd.f32 v2, v0  }
0xd2: {  	v2 =	vld [tilespmem:s18+$0xFFFFFE20]  }
0xd3: {  	v0 =	vadd.f32 v3, v0  }
0xd4: {  	v3 =	vld [tilespmem:s18+$0xFFFFFE40]  }
0xd5: {  	v0 =	vadd.f32 v1, v0  }
0xd6: {  	v1 =	vld [tilespmem:s18+$0xFFFFFE60]  }
0xd7: {  	v0 =	vadd.f32 v2, v0  }
0xd8: {  	v2 =	vld [tilespmem:s18+$0xFFFFFE80]  }
0xd9: {  	v0 =	vadd.f32 v3, v0  }
0xda: {  	v3 =	vld [tilespmem:s18+$0xFFFFFEA0]  }
0xdb: {  	v0 =	vadd.f32 v1, v0;
	_ =	sdelay $0x1  }
0xdc: {  	v0 =	vadd.f32 v2, v0;
	_ =	sdelay $0x1  }
0xdd: {  	v0 =	vadd.f32 v3, v0  }
0xde: {  	s19 =	sshra.s32 s21, $0x2  }
0xdf: {  	[tilespmem:s19+$0x6400] =	vst v0  }
0xe0: {  	v0 =	vld [tilespmem:s18+$0xFFFFFD90]  }
0xe1: {  	v1 =	vld [tilespmem:s18+$0xFFFFFDB0];
	_ =	sdelay $0x1  }
0xe2: {  	v2 =	vld [tilespmem:s18+$0xFFFFFDD0];
	_ =	sdelay $0x1  }
0xe3: {  	v3 =	vld [tilespmem:s18+$0xFFFFFDF0]  }
0xe4: {  	v0 =	vadd.f32 v1, v0  }
0xe5: {  	v1 =	vld [tilespmem:s18+$0xFFFFFE10]  }
0xe6: {  	v0 =	vadd.f32 v2, v0  }
0xe7: {  	v2 =	vld [tilespmem:s18+$0xFFFFFE30]  }
0xe8: {  	v0 =	vadd.f32 v3, v0  }
0xe9: {  	v3 =	vld [tilespmem:s18+$0xFFFFFE50]  }
0xea: {  	v0 =	vadd.f32 v1, v0  }
0xeb: {  	v1 =	vld [tilespmem:s18+$0xFFFFFE70]  }
0xec: {  	v0 =	vadd.f32 v2, v0  }
0xed: {  	v2 =	vld [tilespmem:s18+$0xFFFFFE90]  }
0xee: {  	v0 =	vadd.f32 v3, v0  }
0xef: {  	v3 =	vld [tilespmem:s18+$0xFFFFFEB0]  }
0xf0: {  	v0 =	vadd.f32 v1, v0;
	_ =	sdelay $0x1  }
0xf1: {  	v0 =	vadd.f32 v2, v0;
	_ =	sdelay $0x1  }
0xf2: {  	v0 =	vadd.f32 v3, v0;
	_ =	sdelay $0x1  }
0xf3: {  	[tilespmem:s19+$0x6410] =	vst v0  }
0xf4: {  	v0 =	vld [tilespmem:s18+$0xFFFFFEC0]  }
0xf5: {  	v1 =	vld [tilespmem:s18+$0xFFFFFEE0];
	_ =	sdelay $0x1  }
0xf6: {  	v2 =	vld [tilespmem:s18+$0xFFFFFF00];
	_ =	sdelay $0x1  }
0xf7: {  	v3 =	vld [tilespmem:s18+$0xFFFFFF20]  }
0xf8: {  	v0 =	vadd.f32 v1, v0  }
0xf9: {  	v1 =	vld [tilespmem:s18+$0xFFFFFF40]  }
0xfa: {  	v0 =	vadd.f32 v2, v0  }
0xfb: {  	v2 =	vld [tilespmem:s18+$0xFFFFFF60]  }
0xfc: {  	v0 =	vadd.f32 v3, v0  }
0xfd: {  	v3 =	vld [tilespmem:s18+$0xFFFFFF80]  }
0xfe: {  	v0 =	vadd.f32 v1, v0  }
0xff: {  	v1 =	vld [tilespmem:s18+$0xFFFFFFA0]  }
0x100: {  	v0 =	vadd.f32 v2, v0  }
0x101: {  	v2 =	vld [tilespmem:s18+$0xFFFFFFC0]  }
0x102: {  	v0 =	vadd.f32 v3, v0  }
0x103: {  	v3 =	vld [tilespmem:s18+$0xFFFFFFE0]  }
0x104: {  	v0 =	vadd.f32 v1, v0;
	_ =	sdelay $0x1  }
0x105: {  	v0 =	vadd.f32 v2, v0;
	_ =	sdelay $0x1  }
0x106: {  	v0 =	vadd.f32 v3, v0;
	_ =	sdelay $0x1  }
0x107: {  	[tilespmem:s19+$0x6420] =	vst v0  }
0x108: {  	v0 =	vld [tilespmem:s18+$0xFFFFFED0]  }
0x109: {  	v1 =	vld [tilespmem:s18+$0xFFFFFEF0];
	_ =	sdelay $0x1  }
0x10a: {  	v2 =	vld [tilespmem:s18+$0xFFFFFF10];
	_ =	sdelay $0x1  }
0x10b: {  	v3 =	vld [tilespmem:s18+$0xFFFFFF30]  }
0x10c: {  	v0 =	vadd.f32 v1, v0  }
0x10d: {  	v1 =	vld [tilespmem:s18+$0xFFFFFF50]  }
0x10e: {  	v0 =	vadd.f32 v2, v0  }
0x10f: {  	v2 =	vld [tilespmem:s18+$0xFFFFFF70]  }
0x110: {  	v0 =	vadd.f32 v3, v0  }
0x111: {  	v3 =	vld [tilespmem:s18+$0xFFFFFF90]  }
0x112: {  	v0 =	vadd.f32 v1, v0  }
0x113: {  	v1 =	vld [tilespmem:s18+$0xFFFFFFB0]  }
0x114: {  	v0 =	vadd.f32 v2, v0  }
0x115: {  	v2 =	vld [tilespmem:s18+$0xFFFFFFD0]  }
0x116: {  	v0 =	vadd.f32 v3, v0  }
0x117: {  	v3 =	vld [tilespmem:s18+$0xFFFFFFF0]  }
0x118: {  	v0 =	vadd.f32 v1, v0;
	_ =	sdelay $0x1  }
0x119: {  	v0 =	vadd.f32 v2, v0;
	_ =	sdelay $0x1  }
0x11a: {  	v0 =	vadd.f32 v3, v0;
	_ =	sdelay $0x1  }
0x11b: {  	[tilespmem:s19+$0x6430] =	vst v0  }
0x11c: {  	v0 =	vld [tilespmem:s18+$0x0]  }
0x11d: {  	v1 =	vld [tilespmem:s18+$0x20];
	_ =	sdelay $0x1  }
0x11e: {  	v2 =	vld [tilespmem:s18+$0x40];
	_ =	sdelay $0x1  }
0x11f: {  	v3 =	vld [tilespmem:s18+$0x60]  }
0x120: {  	v0 =	vadd.f32 v1, v0  }
0x121: {  	v1 =	vld [tilespmem:s18+$0x80]  }
0x122: {  	v0 =	vadd.f32 v2, v0  }
0x123: {  	v2 =	vld [tilespmem:s18+$0xA0]  }
0x124: {  	v0 =	vadd.f32 v3, v0  }
0x125: {  	v3 =	vld [tilespmem:s18+$0xC0]  }
0x126: {  	v0 =	vadd.f32 v1, v0  }
0x127: {  	v1 =	vld [tilespmem:s18+$0xE0]  }
0x128: {  	v0 =	vadd.f32 v2, v0  }
0x129: {  	v2 =	vld [tilespmem:s18+$0x100]  }
0x12a: {  	v0 =	vadd.f32 v3, v0  }
0x12b: {  	v3 =	vld [tilespmem:s18+$0x120]  }
0x12c: {  	v0 =	vadd.f32 v1, v0;
	_ =	sdelay $0x1  }
0x12d: {  	v0 =	vadd.f32 v2, v0;
	_ =	sdelay $0x1  }
0x12e: {  	v0 =	vadd.f32 v3, v0;
	_ =	sdelay $0x1  }
0x12f: {  	[tilespmem:s19+$0x6440] =	vst v0  }
0x130: {  	v0 =	vld [tilespmem:s18+$0x10]  }
0x131: {  	v1 =	vld [tilespmem:s18+$0x30]  }
0x132: {  	v2 =	vld [tilespmem:s18+$0x50]  }
0x133: {  	v3 =	vld [tilespmem:s18+$0x70]  }
0x134: {  	v4 =	vld [tilespmem:s18+$0x90]  }
0x135: {  	v5 =	vld [tilespmem:s18+$0xB0]  }
0x136: {  	v0 =	vadd.f32 v1, v0;
	v1 =	vld [tilespmem:s18+$0xD0]  }
0x137: {  	v6 =	vld [tilespmem:s18+$0xF0]  }
0x138: {  	v0 =	vadd.f32 v2, v0;
	v2 =	vld [tilespmem:s18+$0x110]  }
0x139: {  	v7 =	vld [tilespmem:s18+$0x130]  }
0x13a: {  	v0 =	vadd.f32 v3, v0;
	_ =	sdelay $0x1  }
0x13b: {  	v0 =	vadd.f32 v4, v0;
	_ =	sdelay $0x1  }
0x13c: {  	v0 =	vadd.f32 v5, v0;
	_ =	sdelay $0x1  }
0x13d: {  	v0 =	vadd.f32 v1, v0;
	_ =	sdelay $0x1  }
0x13e: {  	v0 =	vadd.f32 v6, v0;
	_ =	sdelay $0x1  }
0x13f: {  	v0 =	vadd.f32 v2, v0;
	_ =	sdelay $0x1  }
0x140: {  	v0 =	vadd.f32 v7, v0;
	_ =	sdelay $0x1  }
0x141: {  	[tilespmem:s19+$0x6450] =	vst v0  }
0x142: {  	v0 =	vld [tilespmem:s18+$0x140]  }
0x143: {  	v1 =	vld [tilespmem:s18+$0x160]  }
0x144: {  	v2 =	vld [tilespmem:s18+$0x180]  }
0x145: {  	v3 =	vld [tilespmem:s18+$0x1A0]  }
0x146: {  	v4 =	vld [tilespmem:s18+$0x1C0]  }
0x147: {  	v5 =	vld [tilespmem:s18+$0x1E0]  }
0x148: {  	v0 =	vadd.f32 v1, v0;
	v1 =	vld [tilespmem:s18+$0x200]  }
0x149: {  	v6 =	vld [tilespmem:s18+$0x220]  }
0x14a: {  	v0 =	vadd.f32 v2, v0;
	v2 =	vld [tilespmem:s18+$0x240]  }
0x14b: {  	v7 =	vld [tilespmem:s18+$0x260]  }
0x14c: {  	v0 =	vadd.f32 v3, v0;
	_ =	sdelay $0x1  }
0x14d: {  	v0 =	vadd.f32 v4, v0;
	_ =	sdelay $0x1  }
0x14e: {  	v0 =	vadd.f32 v5, v0;
	_ =	sdelay $0x1  }
0x14f: {  	v0 =	vadd.f32 v1, v0;
	_ =	sdelay $0x1  }
0x150: {  	v0 =	vadd.f32 v6, v0;
	_ =	sdelay $0x1  }
0x151: {  	v0 =	vadd.f32 v2, v0;
	_ =	sdelay $0x1  }
0x152: {  	v0 =	vadd.f32 v7, v0;
	_ =	sdelay $0x1  }
0x153: {  	[tilespmem:s19+$0x6460] =	vst v0  }
0x154: {  	v0 =	vld [tilespmem:s18+$0x150]  }
0x155: {  	v1 =	vld [tilespmem:s18+$0x170]  }
0x156: {  	v2 =	vld [tilespmem:s18+$0x190]  }
0x157: {  	v4 =	vld [tilespmem:s18+$0x1B0]  }
0x158: {  	v5 =	vld [tilespmem:s18+$0x1D0]  }
0x159: {  	v6 =	vld [tilespmem:s18+$0x1F0]  }
0x15a: {  	v1 =	vadd.f32 v1, v0;
	v3 =	vld [tilespmem:s18+$0x210]  }
0x15b: {  	v0 =	vld [tilespmem:s18+$0x230]  }
0x15c: {  	v7 =	vadd.f32 v2, v1;
	v1 =	vld [tilespmem:s18+$0x250]  }
0x15d: {  	v2 =	vld [tilespmem:s18+$0x270]  }
.Ltmp0:
0x15e: {  	v4 =	vadd.f32 v4, v7;
	(pc) =	sbr.rel @p0 .LBB2_3-.Ltmp0, $3  }
0x15f: {  	_ = 	snop  }
0x160: {  	v4 =	vadd.f32 v5, v4;
	_ =	sdelay $0x1  }
0x161: {  	v4 =	vadd.f32 v6, v4  }
0x162: {  	_ = 	snop  }
0x163: {  	v3 =	vadd.f32 v3, v4;
	_ =	sdelay $0x1  }
0x164: {  	v0 =	vadd.f32 v0, v3;
	_ =	sdelay $0x1  }
0x165: {  	v0 =	vadd.f32 v1, v0;
	_ =	sdelay $0x1  }
0x166: {  	s18 =	sshll.u32 s17, $0x8;
	s17 =	sadd.s32 $0x1, s17;
	v0 =	vadd.f32 v2, v0  }
0x167: {  	p0 =	sne.s32 s17, $0x8  }
.Ltmp1:
0x168: {  	s18 =	sadd.s32 s18, s5;
	[tilespmem:s19+$0x6470] =	vst v0;
	(pc) =	sbr.rel @p0 .LBB2_2-.Ltmp1, $4  }
0x169: {  	[hbm4b:s18+s2] =	stream.linear.scatter [tilespmem:s15], [sflag:$0x2], $0x800, $0x38;
	[tilespmem:$0x6C00] =	vst v63  }
0x16a: {  	_ =	swait.ge [sflag:s7], $0x800  }
0x16b: {  	[sflag:s7] =	ssyncset.done $0x0  }
0x16c: {  	[sflag:s7] =	ssyncadd.s32 $0xFFFFF800  }
0x16d: {  	s16 =	sadd.s32 $0x1, s16  }
0x16e: {  	p0 =	sne.s32 s16, s6  }
.Ltmp2:
0x16f: {  	_ = 	snop;
	(pc) =	sbr.rel @p0 .LBB2_1-.Ltmp2, $1  }
0x170: {  	_ =	sdelay $0x3  }
0x171: {  	_ =	sfence.sel $0x180000  }
0x172: {  	[bflag:$0x0] =	sbarrier.arrive $0xFFFF  }
0x173: {  	p0 =	sne.s32 s0, $0x0;
	_ =	strace $0x90000047  }
0x174: {  	s0 =	sadd.s32 @!p0 $0x100000, s1;
	[bflag:$0x2] =	sbarrier.arrive $0xFFFF  }
0x175: {  	[sflag:s0] =	ssyncadd.tile.s32 @!p0 $0x1;
	_ =	shalt  }
.Lfunc_end2:
_tile_overlayer_lowered:
.L_overlay_start_2:
0x176: {  	(tag) =	ssettag $0x2  }
0x177: {  	s0 =	rddreg [dreg:$0x0];
	s2 =	stileid.u32  }
0x178: {  	s1 =	rddreg [dreg:$0x1];
	p0 =	sne.s32 s2, $0x0  }
0x179: {  	s3 =	rddreg [dreg:$0x2];
	[bflag:$0x3] =	sbarrier.arrive $0xFFFF;
	s2 =	simm.s32 @!p0 $0x1C02  }
0x17a: {  	[timem:s3], [sflag:s2] =	dma.local @!p0 [hbm:s0], s1  }
0x17b: {  	s0 =	simm.s32 @!p0 $0x2  }
0x17c: {  	_ =	swait.ge @!p0 [sflag:s0], s1  }
0x17d: {  	s1 =	ssub.s32 @!p0 $0x0, s1;
	[sflag:s0] =	ssyncset.done @!p0 $0x0  }
0x17e: {  	[sflag:s0] =	ssyncadd.s32 @!p0 s1  }
0x17f: {  	[bflag:$0x3] =	sbarrier.arrive $0xFFFF  }
0x180: {  	_ =	shalt  }

</sc_bundles>
